<compile_context>
chip_gen: v7x
topology: tpu7x:2x2x1
jax: 0.10.2.dev20260603
libtpu: 0.0.44.dev20260713+nightly
codegen_flags: <defaults>
</compile_context>

<pallas_src>
import functools

import jax
import jax.numpy as jnp
from jax import lax
from jax.experimental import pallas as pl
from jax.experimental.pallas import tpu as pltpu
from jax.experimental.pallas import tpu_sc as plsc

C = 1000
S = 1000
B = 16384
ROWS_PER_BLOCK = 1024
NUM_BLOCKS = B // ROWS_PER_BLOCK

NC = 2
NS = 16
NW = NC * NS
BPW = B // NW

ENTRIES_PER_ROW = 64
ROW_WORDS = 2 * ENTRIES_PER_ROW
TROWS = C * S // ENTRIES_PER_ROW


CHUNK = 256
NCHUNKS = B // CHUNK
NBUF = 8


def _flat_idx_body(attr_hbm, coarse_ref, col_ref, buf, sems):
    def copy_op(g, phase):
        return pltpu.make_async_copy(
            attr_hbm.at[pl.ds(g * CHUNK, CHUNK), :],
            buf.at[phase],
            sems.at[phase],
        )

    for g in range(NBUF):
        copy_op(g, g).start()

    col = lax.broadcasted_iota(jnp.int32, (1, C + S), 1)
    w = jnp.where(col < C, col * S, col - C).astype(jnp.float32)

    def outer(o, _):
        for phase in range(NBUF):
            g = o * NBUF + phase
            copy_op(g, phase).wait()
            a = buf[phase]
            flat = jnp.sum(a * w, axis=1).astype(jnp.int32)
            sl = pl.ds(g * CHUNK, CHUNK)
            coarse_ref[sl] = lax.shift_right_logical(flat, 6)
            col_ref[sl] = lax.shift_left(jnp.bitwise_and(flat, 63), 1)

            @pl.when(g + NBUF < NCHUNKS)
            def _():
                copy_op(g + NBUF, phase).start()
        return None

    lax.fori_loop(0, NCHUNKS // NBUF, outer, None)


def _flat_idx_tc(attr):
    return pl.pallas_call(
        _flat_idx_body,
        in_specs=[pl.BlockSpec(memory_space=pl.ANY)],
        out_specs=[
            pl.BlockSpec(memory_space=pltpu.VMEM),
            pl.BlockSpec(memory_space=pltpu.VMEM),
        ],
        out_shape=[
            jax.ShapeDtypeStruct((B,), jnp.int32),
            jax.ShapeDtypeStruct((B,), jnp.int32),
        ],
        scratch_shapes=[
            pltpu.VMEM((NBUF, CHUNK, C + S), jnp.float32),
            pltpu.SemaphoreType.DMA((NBUF,)),
        ],
        compiler_params=pltpu.CompilerParams(
            vmem_limit_bytes=100 * 1024 * 1024,
        ),
    )(attr)


@functools.cache
def _make_gather_sc():
    mesh = plsc.VectorSubcoreMesh(core_axis_name="c", subcore_axis_name="s")
    return pl.kernel(
        _gather_sc_body,
        mesh=mesh,
        out_type=jax.ShapeDtypeStruct((B, ROW_WORDS), jnp.int32),
        name="vocab_gather_sc",
        scratch_types=[
            pltpu.VMEM((BPW,), jnp.int32),
            pltpu.VMEM((BPW, ROW_WORDS), jnp.int32),
            pltpu.SemaphoreType.DMA,
        ],
    )


def _gather_sc_body(table_hbm, coarse_hbm, out_hbm, coarse_v, rows_v, sem):
    wid = lax.axis_index("s") * NC + lax.axis_index("c")
    base = wid * BPW
    pltpu.sync_copy(coarse_hbm.at[wid], coarse_v)
    pltpu.async_copy(table_hbm.at[coarse_v], rows_v, sem).wait()
    pltpu.sync_copy(rows_v, out_hbm.at[pl.ds(base, BPW)])


def _extract_body(rows_ref, col_ref, out_ref):
    a = rows_ref[...]
    c0 = col_ref[...][:, None]
    lane = lax.broadcasted_iota(jnp.int32, (1, ROW_WORDS), 1)
    v0 = jnp.sum(jnp.where(lane == c0, a, 0), axis=1)
    v1 = jnp.sum(jnp.where(lane == c0 + 1, a, 0), axis=1)
    out_ref[...] = jnp.concatenate([v0[:, None], v1[:, None]], axis=1)


EBLOCK = 512


def _extract_tc(rows, cols):
    return pl.pallas_call(
        _extract_body,
        grid=(B // EBLOCK,),
        in_specs=[
            pl.BlockSpec((EBLOCK, ROW_WORDS), lambda i: (i, 0)),
            pl.BlockSpec((EBLOCK,), lambda i: (i,)),
        ],
        out_specs=pl.BlockSpec((EBLOCK, 2), lambda i: (i, 0)),
        out_shape=jax.ShapeDtypeStruct((B, 2), jnp.int32),
        compiler_params=pltpu.CompilerParams(
            dimension_semantics=("arbitrary",),
        ),
    )(rows, cols)


def kernel(attrVector, permVocab):
    coarse, cols = _flat_idx_tc(attrVector)
    table = permVocab.reshape(TROWS, ROW_WORDS)
    rows = _make_gather_sc()(table, coarse.reshape(NW, BPW))
    perm_messages = _extract_tc(rows, cols)
    z = jnp.zeros((B,), dtype=jnp.float32)
    return (perm_messages, z, z, jnp.ones((B,), dtype=jnp.float32))

# --- scband reference (transcript-rebuilt; emitter-appended) ---
"""Pipeline reference for scband-overlap-permuted-sender-63900523430240 (READ-ONLY COPY).

The authoritative reference and input builder live on the scoring server;
editing this copy changes nothing except your own understanding.
"""

import jax, jax.numpy as jnp
import numpy as np

C = 1000  # numColors
S = 1000  # numShapes
B = 16384  # batch
L = 2     # messageLen


def setup_inputs(seed: int = 0) -> dict:
    key = jax.random.key(seed)
    k1, k2, k3 = jax.random.split(key, 3)
    # attrVector is a multi-hot vector: exactly one color bit in [0, C) and one shape bit in [C, C+S)
    colors = jax.random.randint(k1, (B,), 0, C)
    shapes = jax.random.randint(k2, (B,), 0, S)
    rows = jnp.arange(B)
    attr = jnp.zeros((B, C + S), dtype=jnp.float32)
    attr = attr.at[rows, colors].set(1.0)
    attr = attr.at[rows, C + shapes].set(1.0)
    # Build vocab tensor [[i, j] for i in range(C) for j in range(S)] -> index i*S + j
    ii = jnp.repeat(jnp.arange(C, dtype=jnp.int32), S)
    jj = jnp.tile(jnp.arange(S, dtype=jnp.int32), C)
    vocabTensor = jnp.stack([ii, jj], axis=1)  # [C*S, 2]
    perm = jax.random.permutation(k3, C * S)
    permVocab = jnp.take(vocabTensor, perm, axis=0)  # learned-state permuted vocab table [C*S, 2]
    return {"attrVector": attr, "permVocab": permVocab}


def reference(attrVector, permVocab):
    # speak(): torch.nonzero over the first C+S columns yields, per row (column-sorted),
    # the color index (< C) then the shape index (>= C). masked_scatter_ subtracts C from shape.
    c = jnp.argmax(attrVector[:, :C], axis=1)          # color index per row
    s = jnp.argmax(attrVector[:, C:C + S], axis=1)     # shape index per row (already minus C)
    # vocab_d lookup by key string of [c, s] == vocab list index c*S + s -> permVocab row
    flat_idx = c * S + s
    permMessages = jnp.take(permVocab, flat_idx, axis=0)  # [B, 2] gather == embedding lookup
    batch = attrVector.shape[0]
    return (permMessages,
            jnp.zeros((batch,), dtype=jnp.float32),
            jnp.zeros((batch,), dtype=jnp.float32),
            jnp.ones((batch,), dtype=jnp.float32))

if __name__ == "__main__":
    import jax
    _d = setup_inputs()
    print(jax.jit(kernel)(*tuple(_d.values())))

</pallas_src>

<mosaic_0001>
#map = affine_map<(d0, d1) -> (0, 0)>
module attributes {stable_mosaic.version = 14 : i64} {
  func.func @vocab_gather_sc(%arg0: i32, %arg1: i32, %arg2: memref<15625x128xi32, #tpu.memory_space<hbm>>, %arg3: memref<32x512xi32, #tpu.memory_space<hbm>>, %arg4: memref<16384x128xi32, #tpu.memory_space<hbm>>, %arg5: memref<512xi32, #tpu.memory_space<vmem>>, %arg6: memref<512x128xi32, #tpu.memory_space<vmem>>, %arg7: memref<!tpu.dma_semaphore, #tpu.memory_space<semaphore_mem>>) attributes {dimension_semantics = [#tpu.dimension_semantics<core_parallel>, #tpu.dimension_semantics<subcore_parallel>], iteration_bounds = array<i64: 2, 16>, scalar_prefetch = 0 : i64, scratch_operands = 3 : i64, tpu.core_type = #tpu.core_type<sc_vector_subcore>, window_params = [{transform_indices = #map}, {transform_indices = #map}, {transform_indices = #map}]} {
    %mul3A = arith.constant 2 : i32
    %mul3A_0 = arith.muli %arg1, %mul3A : i32
    %add3A = arith.addi %mul3A_0, %arg0 : i32
    %mul3A_1 = arith.constant 512 : i32
    %mul3A_2 = arith.muli %add3A, %mul3A_1 : i32
    "tpu.region"() ({
      %run_scoped3A = tpu.sem_alloc : memref<!tpu.dma_semaphore, #tpu.memory_space<semaphore_mem>>
      %dma_start3A_7 = arith.constant 0 : i32
      %dma_start3A_8 = tpu.memref_slice %arg3[%add3A, %dma_start3A_7] : memref<32x512xi32, #tpu.memory_space<hbm>> -> memref<1x512xi32, #tpu.memory_space<hbm>>
      %dma_start3A_9 = tpu.memref_squeeze %dma_start3A_8 : memref<1x512xi32, #tpu.memory_space<hbm>> -> memref<512xi32, #tpu.memory_space<hbm>>
      %dma_start3A_10 = arith.constant 0 : i32
      %dma_start3A_11 = tpu.memref_slice %arg3[%add3A, %dma_start3A_10] : memref<32x512xi32, #tpu.memory_space<hbm>> -> memref<1x512xi32, #tpu.memory_space<hbm>>
      %dma_start3A_12 = tpu.memref_squeeze %dma_start3A_11 : memref<1x512xi32, #tpu.memory_space<hbm>> -> memref<512xi32, #tpu.memory_space<hbm>>
      tpu.enqueue_dma source(%dma_start3A_12 : memref<512xi32, #tpu.memory_space<hbm>>) target(%arg5 : memref<512xi32, #tpu.memory_space<vmem>>) target_semaphore(%run_scoped3A : memref<!tpu.dma_semaphore, #tpu.memory_space<semaphore_mem>>)
      %dma_wait3A_13 = arith.constant 0 : i32
      %dma_wait3A_14 = tpu.memref_slice %arg3[%add3A, %dma_wait3A_13] : memref<32x512xi32, #tpu.memory_space<hbm>> -> memref<1x512xi32, #tpu.memory_space<hbm>>
      %dma_wait3A_15 = tpu.memref_squeeze %dma_wait3A_14 : memref<1x512xi32, #tpu.memory_space<hbm>> -> memref<512xi32, #tpu.memory_space<hbm>>
      %dma_wait3A_16 = arith.constant 0 : i32
      %dma_wait3A_17 = tpu.memref_slice %arg3[%add3A, %dma_wait3A_16] : memref<32x512xi32, #tpu.memory_space<hbm>> -> memref<1x512xi32, #tpu.memory_space<hbm>>
      %dma_wait3A_18 = tpu.memref_squeeze %dma_wait3A_17 : memref<1x512xi32, #tpu.memory_space<hbm>> -> memref<512xi32, #tpu.memory_space<hbm>>
      tpu.wait_dma2 semaphore(%run_scoped3A : memref<!tpu.dma_semaphore, #tpu.memory_space<semaphore_mem>>) src(%dma_wait3A_18 : memref<512xi32, #tpu.memory_space<hbm>>) dst(%arg5 : memref<512xi32, #tpu.memory_space<vmem>>)
      tpu.yield
    }) : () -> ()
    %dma_start3A = arith.constant 0 : i32
    %dma_start3A_3 = arith.constant 0 : i32
    %dma_start3A_4 = tpu.memref_slice %arg2[%dma_start3A, %dma_start3A_3] : memref<15625x128xi32, #tpu.memory_space<hbm>> -> memref<15625x128xi32, #tpu.memory_space<hbm>>
    tpu.enqueue_indirect_dma source(%dma_start3A_4 : memref<15625x128xi32, #tpu.memory_space<hbm>>) target(%arg6 : memref<512x128xi32, #tpu.memory_space<vmem>>) offsets(%arg5 : memref<512xi32, #tpu.memory_space<vmem>>) semaphore(%arg7 : memref<!tpu.dma_semaphore, #tpu.memory_space<semaphore_mem>>)
    %dma_wait3A = arith.constant 0 : i32
    %dma_wait3A_5 = arith.constant 0 : i32
    %dma_wait3A_6 = tpu.memref_slice %arg2[%dma_wait3A, %dma_wait3A_5] : memref<15625x128xi32, #tpu.memory_space<hbm>> -> memref<15625x128xi32, #tpu.memory_space<hbm>>
    tpu.wait_indirect_dma semaphore(%arg7 : memref<!tpu.dma_semaphore, #tpu.memory_space<semaphore_mem>>) src(%dma_wait3A_6 : memref<15625x128xi32, #tpu.memory_space<hbm>>) dst(%arg6 : memref<512x128xi32, #tpu.memory_space<vmem>>)
    "tpu.region"() ({
      %run_scoped3A = tpu.sem_alloc : memref<!tpu.dma_semaphore, #tpu.memory_space<semaphore_mem>>
      %dma_start3A_7 = arith.constant 0 : i32
      %dma_start3A_8 = tpu.memref_slice %arg4[%mul3A_2, %dma_start3A_7] : memref<16384x128xi32, #tpu.memory_space<hbm>> -> memref<512x128xi32, #tpu.memory_space<hbm>>
      %dma_start3A_9 = arith.constant 0 : i32
      %dma_start3A_10 = tpu.memref_slice %arg4[%mul3A_2, %dma_start3A_9] : memref<16384x128xi32, #tpu.memory_space<hbm>> -> memref<512x128xi32, #tpu.memory_space<hbm>>
      tpu.enqueue_dma source(%arg6 : memref<512x128xi32, #tpu.memory_space<vmem>>) target(%dma_start3A_10 : memref<512x128xi32, #tpu.memory_space<hbm>>) target_semaphore(%run_scoped3A : memref<!tpu.dma_semaphore, #tpu.memory_space<semaphore_mem>>)
      %dma_wait3A_11 = arith.constant 0 : i32
      %dma_wait3A_12 = tpu.memref_slice %arg4[%mul3A_2, %dma_wait3A_11] : memref<16384x128xi32, #tpu.memory_space<hbm>> -> memref<512x128xi32, #tpu.memory_space<hbm>>
      %dma_wait3A_13 = arith.constant 0 : i32
      %dma_wait3A_14 = tpu.memref_slice %arg4[%mul3A_2, %dma_wait3A_13] : memref<16384x128xi32, #tpu.memory_space<hbm>> -> memref<512x128xi32, #tpu.memory_space<hbm>>
      tpu.wait_dma2 semaphore(%run_scoped3A : memref<!tpu.dma_semaphore, #tpu.memory_space<semaphore_mem>>) src(%arg6 : memref<512x128xi32, #tpu.memory_space<vmem>>) dst(%dma_wait3A_14 : memref<512x128xi32, #tpu.memory_space<hbm>>)
      tpu.yield
    }) : () -> ()
    return
  }
}

module attributes {stable_mosaic.version = 14 : i64} {
  func.func @_flat_idx_body(%arg0: memref<16384x2000xf32, #tpu.memory_space<any>>, %arg1: memref<16384xi32, #tpu.memory_space<vmem>>, %arg2: memref<16384xi32, #tpu.memory_space<vmem>>, %arg3: memref<8x256x2000xf32, #tpu.memory_space<vmem>>, %arg4: memref<8x!tpu.dma_semaphore, #tpu.memory_space<semaphore_mem>>) attributes {dimension_semantics = [], scalar_prefetch = 0 : i64, scratch_operands = 2 : i64, tpu.core_type = #tpu.core_type<tc>} {
    %dma_start3A = arith.constant 0 : i32
    %dma_start3A_0 = arith.constant 0 : i32
    %dma_start3A_1 = tpu.memref_slice %arg4[%dma_start3A_0] : memref<8x!tpu.dma_semaphore, #tpu.memory_space<semaphore_mem>> -> memref<1x!tpu.dma_semaphore, #tpu.memory_space<semaphore_mem>>
    %dma_start3A_2 = tpu.memref_squeeze %dma_start3A_1 : memref<1x!tpu.dma_semaphore, #tpu.memory_space<semaphore_mem>> -> memref<!tpu.dma_semaphore, #tpu.memory_space<semaphore_mem>>
    %dma_start3A_3 = arith.constant 0 : i32
    %dma_start3A_4 = arith.constant 0 : i32
    %dma_start3A_5 = tpu.memref_slice %arg3[%dma_start3A, %dma_start3A_3, %dma_start3A_4] : memref<8x256x2000xf32, #tpu.memory_space<vmem>> -> memref<1x256x2000xf32, #tpu.memory_space<vmem>>
    %dma_start3A_6 = tpu.memref_squeeze %dma_start3A_5 : memref<1x256x2000xf32, #tpu.memory_space<vmem>> -> memref<256x2000xf32, #tpu.memory_space<vmem>>
    %dma_start3A_7 = arith.constant 0 : i32
    %dma_start3A_8 = arith.constant 0 : i32
    %dma_start3A_9 = tpu.memref_slice %arg0[%dma_start3A_7, %dma_start3A_8] : memref<16384x2000xf32, #tpu.memory_space<any>> -> memref<256x2000xf32, #tpu.memory_space<any>>
    tpu.enqueue_dma source(%dma_start3A_9 : memref<256x2000xf32, #tpu.memory_space<any>>) target(%dma_start3A_6 : memref<256x2000xf32, #tpu.memory_space<vmem>>) target_semaphore(%dma_start3A_2 : memref<!tpu.dma_semaphore, #tpu.memory_space<semaphore_mem>>)
    %dma_start3A_10 = arith.constant 1 : i32
    %dma_start3A_11 = arith.constant 1 : i32
    %dma_start3A_12 = tpu.memref_slice %arg4[%dma_start3A_11] : memref<8x!tpu.dma_semaphore, #tpu.memory_space<semaphore_mem>> -> memref<1x!tpu.dma_semaphore, #tpu.memory_space<semaphore_mem>>
    %dma_start3A_13 = tpu.memref_squeeze %dma_start3A_12 : memref<1x!tpu.dma_semaphore, #tpu.memory_space<semaphore_mem>> -> memref<!tpu.dma_semaphore, #tpu.memory_space<semaphore_mem>>
    %dma_start3A_14 = arith.constant 0 : i32
    %dma_start3A_15 = arith.constant 0 : i32
    %dma_start3A_16 = tpu.memref_slice %arg3[%dma_start3A_10, %dma_start3A_14, %dma_start3A_15] : memref<8x256x2000xf32, #tpu.memory_space<vmem>> -> memref<1x256x2000xf32, #tpu.memory_space<vmem>>
    %dma_start3A_17 = tpu.memref_squeeze %dma_start3A_16 : memref<1x256x2000xf32, #tpu.memory_space<vmem>> -> memref<256x2000xf32, #tpu.memory_space<vmem>>
    %dma_start3A_18 = arith.constant 256 : i32
    %dma_start3A_19 = arith.constant 0 : i32
    %dma_start3A_20 = tpu.memref_slice %arg0[%dma_start3A_18, %dma_start3A_19] : memref<16384x2000xf32, #tpu.memory_space<any>> -> memref<256x2000xf32, #tpu.memory_space<any>>
    tpu.enqueue_dma source(%dma_start3A_20 : memref<256x2000xf32, #tpu.memory_space<any>>) target(%dma_start3A_17 : memref<256x2000xf32, #tpu.memory_space<vmem>>) target_semaphore(%dma_start3A_13 : memref<!tpu.dma_semaphore, #tpu.memory_space<semaphore_mem>>)
    %dma_start3A_21 = arith.constant 2 : i32
    %dma_start3A_22 = arith.constant 2 : i32
    %dma_start3A_23 = tpu.memref_slice %arg4[%dma_start3A_22] : memref<8x!tpu.dma_semaphore, #tpu.memory_space<semaphore_mem>> -> memref<1x!tpu.dma_semaphore, #tpu.memory_space<semaphore_mem>>
    %dma_start3A_24 = tpu.memref_squeeze %dma_start3A_23 : memref<1x!tpu.dma_semaphore, #tpu.memory_space<semaphore_mem>> -> memref<!tpu.dma_semaphore, #tpu.memory_space<semaphore_mem>>
    %dma_start3A_25 = arith.constant 0 : i32
    %dma_start3A_26 = arith.constant 0 : i32
    %dma_start3A_27 = tpu.memref_slice %arg3[%dma_start3A_21, %dma_start3A_25, %dma_start3A_26] : memref<8x256x2000xf32, #tpu.memory_space<vmem>> -> memref<1x256x2000xf32, #tpu.memory_space<vmem>>
    %dma_start3A_28 = tpu.memref_squeeze %dma_start3A_27 : memref<1x256x2000xf32, #tpu.memory_space<vmem>> -> memref<256x2000xf32, #tpu.memory_space<vmem>>
    %dma_start3A_29 = arith.constant 512 : i32
    %dma_start3A_30 = arith.constant 0 : i32
    %dma_start3A_31 = tpu.memref_slice %arg0[%dma_start3A_29, %dma_start3A_30] : memref<16384x2000xf32, #tpu.memory_space<any>> -> memref<256x2000xf32, #tpu.memory_space<any>>
    tpu.enqueue_dma source(%dma_start3A_31 : memref<256x2000xf32, #tpu.memory_space<any>>) target(%dma_start3A_28 : memref<256x2000xf32, #tpu.memory_space<vmem>>) target_semaphore(%dma_start3A_24 : memref<!tpu.dma_semaphore, #tpu.memory_space<semaphore_mem>>)
    %dma_start3A_32 = arith.constant 3 : i32
    %dma_start3A_33 = arith.constant 3 : i32
    %dma_start3A_34 = tpu.memref_slice %arg4[%dma_start3A_33] : memref<8x!tpu.dma_semaphore, #tpu.memory_space<semaphore_mem>> -> memref<1x!tpu.dma_semaphore, #tpu.memory_space<semaphore_mem>>
    %dma_start3A_35 = tpu.memref_squeeze %dma_start3A_34 : memref<1x!tpu.dma_semaphore, #tpu.memory_space<semaphore_mem>> -> memref<!tpu.dma_semaphore, #tpu.memory_space<semaphore_mem>>
    %dma_start3A_36 = arith.constant 0 : i32
    %dma_start3A_37 = arith.constant 0 : i32
    %dma_start3A_38 = tpu.memref_slice %arg3[%dma_start3A_32, %dma_start3A_36, %dma_start3A_37] : memref<8x256x2000xf32, #tpu.memory_space<vmem>> -> memref<1x256x2000xf32, #tpu.memory_space<vmem>>
    %dma_start3A_39 = tpu.memref_squeeze %dma_start3A_38 : memref<1x256x2000xf32, #tpu.memory_space<vmem>> -> memref<256x2000xf32, #tpu.memory_space<vmem>>
    %dma_start3A_40 = arith.constant 768 : i32
    %dma_start3A_41 = arith.constant 0 : i32
    %dma_start3A_42 = tpu.memref_slice %arg0[%dma_start3A_40, %dma_start3A_41] : memref<16384x2000xf32, #tpu.memory_space<any>> -> memref<256x2000xf32, #tpu.memory_space<any>>
    tpu.enqueue_dma source(%dma_start3A_42 : memref<256x2000xf32, #tpu.memory_space<any>>) target(%dma_start3A_39 : memref<256x2000xf32, #tpu.memory_space<vmem>>) target_semaphore(%dma_start3A_35 : memref<!tpu.dma_semaphore, #tpu.memory_space<semaphore_mem>>)
    %dma_start3A_43 = arith.constant 4 : i32
    %dma_start3A_44 = arith.constant 4 : i32
    %dma_start3A_45 = tpu.memref_slice %arg4[%dma_start3A_44] : memref<8x!tpu.dma_semaphore, #tpu.memory_space<semaphore_mem>> -> memref<1x!tpu.dma_semaphore, #tpu.memory_space<semaphore_mem>>
    %dma_start3A_46 = tpu.memref_squeeze %dma_start3A_45 : memref<1x!tpu.dma_semaphore, #tpu.memory_space<semaphore_mem>> -> memref<!tpu.dma_semaphore, #tpu.memory_space<semaphore_mem>>
    %dma_start3A_47 = arith.constant 0 : i32
    %dma_start3A_48 = arith.constant 0 : i32
    %dma_start3A_49 = tpu.memref_slice %arg3[%dma_start3A_43, %dma_start3A_47, %dma_start3A_48] : memref<8x256x2000xf32, #tpu.memory_space<vmem>> -> memref<1x256x2000xf32, #tpu.memory_space<vmem>>
    %dma_start3A_50 = tpu.memref_squeeze %dma_start3A_49 : memref<1x256x2000xf32, #tpu.memory_space<vmem>> -> memref<256x2000xf32, #tpu.memory_space<vmem>>
    %dma_start3A_51 = arith.constant 1024 : i32
    %dma_start3A_52 = arith.constant 0 : i32
    %dma_start3A_53 = tpu.memref_slice %arg0[%dma_start3A_51, %dma_start3A_52] : memref<16384x2000xf32, #tpu.memory_space<any>> -> memref<256x2000xf32, #tpu.memory_space<any>>
    tpu.enqueue_dma source(%dma_start3A_53 : memref<256x2000xf32, #tpu.memory_space<any>>) target(%dma_start3A_50 : memref<256x2000xf32, #tpu.memory_space<vmem>>) target_semaphore(%dma_start3A_46 : memref<!tpu.dma_semaphore, #tpu.memory_space<semaphore_mem>>)
    %dma_start3A_54 = arith.constant 5 : i32
    %dma_start3A_55 = arith.constant 5 : i32
    %dma_start3A_56 = tpu.memref_slice %arg4[%dma_start3A_55] : memref<8x!tpu.dma_semaphore, #tpu.memory_space<semaphore_mem>> -> memref<1x!tpu.dma_semaphore, #tpu.memory_space<semaphore_mem>>
    %dma_start3A_57 = tpu.memref_squeeze %dma_start3A_56 : memref<1x!tpu.dma_semaphore, #tpu.memory_space<semaphore_mem>> -> memref<!tpu.dma_semaphore, #tpu.memory_space<semaphore_mem>>
    %dma_start3A_58 = arith.constant 0 : i32
    %dma_start3A_59 = arith.constant 0 : i32
    %dma_start3A_60 = tpu.memref_slice %arg3[%dma_start3A_54, %dma_start3A_58, %dma_start3A_59] : memref<8x256x2000xf32, #tpu.memory_space<vmem>> -> memref<1x256x2000xf32, #tpu.memory_space<vmem>>
    %dma_start3A_61 = tpu.memref_squeeze %dma_start3A_60 : memref<1x256x2000xf32, #tpu.memory_space<vmem>> -> memref<256x2000xf32, #tpu.memory_space<vmem>>
    %dma_start3A_62 = arith.constant 1280 : i32
    %dma_start3A_63 = arith.constant 0 : i32
    %dma_start3A_64 = tpu.memref_slice %arg0[%dma_start3A_62, %dma_start3A_63] : memref<16384x2000xf32, #tpu.memory_space<any>> -> memref<256x2000xf32, #tpu.memory_space<any>>
    tpu.enqueue_dma source(%dma_start3A_64 : memref<256x2000xf32, #tpu.memory_space<any>>) target(%dma_start3A_61 : memref<256x2000xf32, #tpu.memory_space<vmem>>) target_semaphore(%dma_start3A_57 : memref<!tpu.dma_semaphore, #tpu.memory_space<semaphore_mem>>)
    %dma_start3A_65 = arith.constant 6 : i32
    %dma_start3A_66 = arith.constant 6 : i32
    %dma_start3A_67 = tpu.memref_slice %arg4[%dma_start3A_66] : memref<8x!tpu.dma_semaphore, #tpu.memory_space<semaphore_mem>> -> memref<1x!tpu.dma_semaphore, #tpu.memory_space<semaphore_mem>>
    %dma_start3A_68 = tpu.memref_squeeze %dma_start3A_67 : memref<1x!tpu.dma_semaphore, #tpu.memory_space<semaphore_mem>> -> memref<!tpu.dma_semaphore, #tpu.memory_space<semaphore_mem>>
    %dma_start3A_69 = arith.constant 0 : i32
    %dma_start3A_70 = arith.constant 0 : i32
    %dma_start3A_71 = tpu.memref_slice %arg3[%dma_start3A_65, %dma_start3A_69, %dma_start3A_70] : memref<8x256x2000xf32, #tpu.memory_space<vmem>> -> memref<1x256x2000xf32, #tpu.memory_space<vmem>>
    %dma_start3A_72 = tpu.memref_squeeze %dma_start3A_71 : memref<1x256x2000xf32, #tpu.memory_space<vmem>> -> memref<256x2000xf32, #tpu.memory_space<vmem>>
    %dma_start3A_73 = arith.constant 1536 : i32
    %dma_start3A_74 = arith.constant 0 : i32
    %dma_start3A_75 = tpu.memref_slice %arg0[%dma_start3A_73, %dma_start3A_74] : memref<16384x2000xf32, #tpu.memory_space<any>> -> memref<256x2000xf32, #tpu.memory_space<any>>
    tpu.enqueue_dma source(%dma_start3A_75 : memref<256x2000xf32, #tpu.memory_space<any>>) target(%dma_start3A_72 : memref<256x2000xf32, #tpu.memory_space<vmem>>) target_semaphore(%dma_start3A_68 : memref<!tpu.dma_semaphore, #tpu.memory_space<semaphore_mem>>)
    %dma_start3A_76 = arith.constant 7 : i32
    %dma_start3A_77 = arith.constant 7 : i32
    %dma_start3A_78 = tpu.memref_slice %arg4[%dma_start3A_77] : memref<8x!tpu.dma_semaphore, #tpu.memory_space<semaphore_mem>> -> memref<1x!tpu.dma_semaphore, #tpu.memory_space<semaphore_mem>>
    %dma_start3A_79 = tpu.memref_squeeze %dma_start3A_78 : memref<1x!tpu.dma_semaphore, #tpu.memory_space<semaphore_mem>> -> memref<!tpu.dma_semaphore, #tpu.memory_space<semaphore_mem>>
    %dma_start3A_80 = arith.constant 0 : i32
    %dma_start3A_81 = arith.constant 0 : i32
    %dma_start3A_82 = tpu.memref_slice %arg3[%dma_start3A_76, %dma_start3A_80, %dma_start3A_81] : memref<8x256x2000xf32, #tpu.memory_space<vmem>> -> memref<1x256x2000xf32, #tpu.memory_space<vmem>>
    %dma_start3A_83 = tpu.memref_squeeze %dma_start3A_82 : memref<1x256x2000xf32, #tpu.memory_space<vmem>> -> memref<256x2000xf32, #tpu.memory_space<vmem>>
    %dma_start3A_84 = arith.constant 1792 : i32
    %dma_start3A_85 = arith.constant 0 : i32
    %dma_start3A_86 = tpu.memref_slice %arg0[%dma_start3A_84, %dma_start3A_85] : memref<16384x2000xf32, #tpu.memory_space<any>> -> memref<256x2000xf32, #tpu.memory_space<any>>
    tpu.enqueue_dma source(%dma_start3A_86 : memref<256x2000xf32, #tpu.memory_space<any>>) target(%dma_start3A_83 : memref<256x2000xf32, #tpu.memory_space<vmem>>) target_semaphore(%dma_start3A_79 : memref<!tpu.dma_semaphore, #tpu.memory_space<semaphore_mem>>)
    %iota3A = tpu.iota {dimensions = array<i32: 1>} : vector<1x2000xi32>
    %lt3A = arith.constant 1000 : i32
    %lt3A_87 = vector.broadcast %lt3A : i32 to vector<1x2000xi32>
    %lt3A_88 = arith.cmpi slt, %iota3A, %lt3A_87 : vector<1x2000xi32>
    %mul3A = arith.constant 1000 : i32
    %mul3A_89 = vector.broadcast %mul3A : i32 to vector<1x2000xi32>
    %mul3A_90 = arith.muli %iota3A, %mul3A_89 : vector<1x2000xi32>
    %sub3A = arith.constant 1000 : i32
    %sub3A_91 = vector.broadcast %sub3A : i32 to vector<1x2000xi32>
    %sub3A_92 = arith.subi %iota3A, %sub3A_91 : vector<1x2000xi32>
    %select_n3A = arith.select %lt3A_88, %mul3A_90, %sub3A_92 : vector<1x2000xi1>, vector<1x2000xi32>
    %convert_element_type3A = arith.sitofp %select_n3A : vector<1x2000xi32> to vector<1x2000xf32>
    %scan3A = arith.constant 0 : i32
    %scan3A_93 = arith.constant 8 : i32
    %scan3A_94 = arith.addi %scan3A, %scan3A_93 : i32
    %scan3A_95 = arith.constant 1 : i32
    scf.for %scan3A_97 = %scan3A to %scan3A_94 step %scan3A_95  : i32 {
      %mul3A_98 = arith.constant 8 : i32
      %mul3A_99 = arith.muli %scan3A_97, %mul3A_98 : i32
      %add3A = arith.constant 0 : i32
      %add3A_100 = arith.addi %mul3A_99, %add3A : i32
      %mul3A_101 = arith.constant 256 : i32
      %mul3A_102 = arith.muli %add3A_100, %mul3A_101 : i32
      %dma_wait3A = arith.constant 0 : i32
      %dma_wait3A_103 = arith.constant 0 : i32
      %dma_wait3A_104 = tpu.memref_slice %arg4[%dma_wait3A_103] : memref<8x!tpu.dma_semaphore, #tpu.memory_space<semaphore_mem>> -> memref<1x!tpu.dma_semaphore, #tpu.memory_space<semaphore_mem>>
      %dma_wait3A_105 = tpu.memref_squeeze %dma_wait3A_104 : memref<1x!tpu.dma_semaphore, #tpu.memory_space<semaphore_mem>> -> memref<!tpu.dma_semaphore, #tpu.memory_space<semaphore_mem>>
      %dma_wait3A_106 = arith.constant 0 : i32
      %dma_wait3A_107 = arith.constant 0 : i32
      %dma_wait3A_108 = tpu.memref_slice %arg3[%dma_wait3A, %dma_wait3A_106, %dma_wait3A_107] : memref<8x256x2000xf32, #tpu.memory_space<vmem>> -> memref<1x256x2000xf32, #tpu.memory_space<vmem>>
      %dma_wait3A_109 = tpu.memref_squeeze %dma_wait3A_108 : memref<1x256x2000xf32, #tpu.memory_space<vmem>> -> memref<256x2000xf32, #tpu.memory_space<vmem>>
      %dma_wait3A_110 = arith.constant 0 : i32
      %dma_wait3A_111 = tpu.memref_slice %arg0[%mul3A_102, %dma_wait3A_110] : memref<16384x2000xf32, #tpu.memory_space<any>> -> memref<256x2000xf32, #tpu.memory_space<any>>
      tpu.wait_dma2 semaphore(%dma_wait3A_105 : memref<!tpu.dma_semaphore, #tpu.memory_space<semaphore_mem>>) src(%dma_wait3A_111 : memref<256x2000xf32, #tpu.memory_space<any>>) dst(%dma_wait3A_109 : memref<256x2000xf32, #tpu.memory_space<vmem>>)
      %get3A = arith.constant 0 : index
      %get3A_112 = arith.constant 0 : index
      %get3A_113 = arith.constant 0 : index
      %get3A_114 = vector.load %arg3[%get3A, %get3A_112, %get3A_113] : memref<8x256x2000xf32, #tpu.memory_space<vmem>>, vector<1x256x2000xf32>
      %get3A_115 = vector.shape_cast %get3A_114 : vector<1x256x2000xf32> to vector<256x2000xf32>
      %mul3A_116 = vector.broadcast %convert_element_type3A : vector<1x2000xf32> to vector<256x2000xf32>
      %mul3A_117 = arith.mulf %get3A_115, %mul3A_116 : vector<256x2000xf32>
      %reduce_sum3A = arith.constant dense<0.000000e+00> : vector<256xf32>
      %reduce_sum3A_118 = vector.multi_reduction <add>, %mul3A_117, %reduce_sum3A [1] : vector<256x2000xf32> to vector<256xf32>
      %convert_element_type3A_119 = arith.fptosi %reduce_sum3A_118 : vector<256xf32> to vector<256xi32>
      %mul3A_120 = arith.constant 256 : i32
      %mul3A_121 = arith.muli %add3A_100, %mul3A_120 : i32
      %shift_right_logical3A = arith.constant 6 : i32
      %shift_right_logical3A_122 = vector.broadcast %shift_right_logical3A : i32 to vector<256xi32>
      %shift_right_logical3A_123 = arith.shrui %convert_element_type3A_119, %shift_right_logical3A_122 : vector<256xi32>
      %swap3A = arith.index_cast %mul3A_121 : i32 to index
      %swap3A_124 = vector.load %arg1[%swap3A] : memref<16384xi32, #tpu.memory_space<vmem>>, vector<256xi32>
      tpu.vector_store %arg1[%swap3A], %shift_right_logical3A_123 {strides = array<i32>} : memref<16384xi32, #tpu.memory_space<vmem>>, vector<256xi32>,
      %and3A = arith.constant 63 : i32
      %and3A_125 = vector.broadcast %and3A : i32 to vector<256xi32>
      %and3A_126 = arith.andi %convert_element_type3A_119, %and3A_125 : vector<256xi32>
      %shift_left3A = arith.constant 1 : i32
      %shift_left3A_127 = vector.broadcast %shift_left3A : i32 to vector<256xi32>
      %shift_left3A_128 = arith.shli %and3A_126, %shift_left3A_127 : vector<256xi32>
      %swap3A_129 = arith.index_cast %mul3A_121 : i32 to index
      %swap3A_130 = vector.load %arg2[%swap3A_129] : memref<16384xi32, #tpu.memory_space<vmem>>, vector<256xi32>
      tpu.vector_store %arg2[%swap3A_129], %shift_left3A_128 {strides = array<i32>} : memref<16384xi32, #tpu.memory_space<vmem>>, vector<256xi32>,
      %add3A_131 = arith.constant 8 : i32
      %add3A_132 = arith.addi %add3A_100, %add3A_131 : i32
      %lt3A_133 = arith.constant 64 : i32
      %lt3A_134 = arith.cmpi slt, %add3A_132, %lt3A_133 : i32
      %convert_element_type3A_135 = arith.extui %lt3A_134 : i1 to i32
      %cond3A = arith.constant 0 : i32
      %cond3A_136 = arith.cmpi ne, %convert_element_type3A_135, %cond3A : i32
      scf.if %cond3A_136 {
        %add3A_473 = arith.constant 8 : i32
        %add3A_474 = arith.addi %add3A_100, %add3A_473 : i32
        %mul3A_475 = arith.constant 256 : i32
        %mul3A_476 = arith.muli %add3A_474, %mul3A_475 : i32
        %dma_start3A_477 = arith.constant 0 : i32
        %dma_start3A_478 = arith.constant 0 : i32
        %dma_start3A_479 = tpu.memref_slice %arg4[%dma_start3A_478] : memref<8x!tpu.dma_semaphore, #tpu.memory_space<semaphore_mem>> -> memref<1x!tpu.dma_semaphore, #tpu.memory_space<semaphore_mem>>
        %dma_start3A_480 = tpu.memref_squeeze %dma_start3A_479 : memref<1x!tpu.dma_semaphore, #tpu.memory_space<semaphore_mem>> -> memref<!tpu.dma_semaphore, #tpu.memory_space<semaphore_mem>>
        %dma_start3A_481 = arith.constant 0 : i32
        %dma_start3A_482 = arith.constant 0 : i32
        %dma_start3A_483 = tpu.memref_slice %arg3[%dma_start3A_477, %dma_start3A_481, %dma_start3A_482] : memref<8x256x2000xf32, #tpu.memory_space<vmem>> -> memref<1x256x2000xf32, #tpu.memory_space<vmem>>
        %dma_start3A_484 = tpu.memref_squeeze %dma_start3A_483 : memref<1x256x2000xf32, #tpu.memory_space<vmem>> -> memref<256x2000xf32, #tpu.memory_space<vmem>>
        %dma_start3A_485 = arith.constant 0 : i32
        %dma_start3A_486 = tpu.memref_slice %arg0[%mul3A_476, %dma_start3A_485] : memref<16384x2000xf32, #tpu.memory_space<any>> -> memref<256x2000xf32, #tpu.memory_space<any>>
        tpu.enqueue_dma source(%dma_start3A_486 : memref<256x2000xf32, #tpu.memory_space<any>>) target(%dma_start3A_484 : memref<256x2000xf32, #tpu.memory_space<vmem>>) target_semaphore(%dma_start3A_480 : memref<!tpu.dma_semaphore, #tpu.memory_space<semaphore_mem>>)
      } else {
      }
      %mul3A_137 = arith.constant 8 : i32
      %mul3A_138 = arith.muli %scan3A_97, %mul3A_137 : i32
      %add3A_139 = arith.constant 1 : i32
      %add3A_140 = arith.addi %mul3A_138, %add3A_139 : i32
      %mul3A_141 = arith.constant 256 : i32
      %mul3A_142 = arith.muli %add3A_140, %mul3A_141 : i32
      %dma_wait3A_143 = arith.constant 1 : i32
      %dma_wait3A_144 = arith.constant 1 : i32
      %dma_wait3A_145 = tpu.memref_slice %arg4[%dma_wait3A_144] : memref<8x!tpu.dma_semaphore, #tpu.memory_space<semaphore_mem>> -> memref<1x!tpu.dma_semaphore, #tpu.memory_space<semaphore_mem>>
      %dma_wait3A_146 = tpu.memref_squeeze %dma_wait3A_145 : memref<1x!tpu.dma_semaphore, #tpu.memory_space<semaphore_mem>> -> memref<!tpu.dma_semaphore, #tpu.memory_space<semaphore_mem>>
      %dma_wait3A_147 = arith.constant 0 : i32
      %dma_wait3A_148 = arith.constant 0 : i32
      %dma_wait3A_149 = tpu.memref_slice %arg3[%dma_wait3A_143, %dma_wait3A_147, %dma_wait3A_148] : memref<8x256x2000xf32, #tpu.memory_space<vmem>> -> memref<1x256x2000xf32, #tpu.memory_space<vmem>>
      %dma_wait3A_150 = tpu.memref_squeeze %dma_wait3A_149 : memref<1x256x2000xf32, #tpu.memory_space<vmem>> -> memref<256x2000xf32, #tpu.memory_space<vmem>>
      %dma_wait3A_151 = arith.constant 0 : i32
      %dma_wait3A_152 = tpu.memref_slice %arg0[%mul3A_142, %dma_wait3A_151] : memref<16384x2000xf32, #tpu.memory_space<any>> -> memref<256x2000xf32, #tpu.memory_space<any>>
      tpu.wait_dma2 semaphore(%dma_wait3A_146 : memref<!tpu.dma_semaphore, #tpu.memory_space<semaphore_mem>>) src(%dma_wait3A_152 : memref<256x2000xf32, #tpu.memory_space<any>>) dst(%dma_wait3A_150 : memref<256x2000xf32, #tpu.memory_space<vmem>>)
      %get3A_153 = arith.constant 1 : index
      %get3A_154 = arith.constant 0 : index
      %get3A_155 = arith.constant 0 : index
      %get3A_156 = vector.load %arg3[%get3A_153, %get3A_154, %get3A_155] : memref<8x256x2000xf32, #tpu.memory_space<vmem>>, vector<1x256x2000xf32>
      %get3A_157 = vector.shape_cast %get3A_156 : vector<1x256x2000xf32> to vector<256x2000xf32>
      %mul3A_158 = vector.broadcast %convert_element_type3A : vector<1x2000xf32> to vector<256x2000xf32>
      %mul3A_159 = arith.mulf %get3A_157, %mul3A_158 : vector<256x2000xf32>
      %reduce_sum3A_160 = arith.constant dense<0.000000e+00> : vector<256xf32>
      %reduce_sum3A_161 = vector.multi_reduction <add>, %mul3A_159, %reduce_sum3A_160 [1] : vector<256x2000xf32> to vector<256xf32>
      %convert_element_type3A_162 = arith.fptosi %reduce_sum3A_161 : vector<256xf32> to vector<256xi32>
      %mul3A_163 = arith.constant 256 : i32
      %mul3A_164 = arith.muli %add3A_140, %mul3A_163 : i32
      %shift_right_logical3A_165 = arith.constant 6 : i32
      %shift_right_logical3A_166 = vector.broadcast %shift_right_logical3A_165 : i32 to vector<256xi32>
      %shift_right_logical3A_167 = arith.shrui %convert_element_type3A_162, %shift_right_logical3A_166 : vector<256xi32>
      %swap3A_168 = arith.index_cast %mul3A_164 : i32 to index
      %swap3A_169 = vector.load %arg1[%swap3A_168] : memref<16384xi32, #tpu.memory_space<vmem>>, vector<256xi32>
      tpu.vector_store %arg1[%swap3A_168], %shift_right_logical3A_167 {strides = array<i32>} : memref<16384xi32, #tpu.memory_space<vmem>>, vector<256xi32>,
      %and3A_170 = arith.constant 63 : i32
      %and3A_171 = vector.broadcast %and3A_170 : i32 to vector<256xi32>
      %and3A_172 = arith.andi %convert_element_type3A_162, %and3A_171 : vector<256xi32>
      %shift_left3A_173 = arith.constant 1 : i32
      %shift_left3A_174 = vector.broadcast %shift_left3A_173 : i32 to vector<256xi32>
      %shift_left3A_175 = arith.shli %and3A_172, %shift_left3A_174 : vector<256xi32>
      %swap3A_176 = arith.index_cast %mul3A_164 : i32 to index
      %swap3A_177 = vector.load %arg2[%swap3A_176] : memref<16384xi32, #tpu.memory_space<vmem>>, vector<256xi32>
      tpu.vector_store %arg2[%swap3A_176], %shift_left3A_175 {strides = array<i32>} : memref<16384xi32, #tpu.memory_space<vmem>>, vector<256xi32>,
      %add3A_178 = arith.constant 8 : i32
      %add3A_179 = arith.addi %add3A_140, %add3A_178 : i32
      %lt3A_180 = arith.constant 64 : i32
      %lt3A_181 = arith.cmpi slt, %add3A_179, %lt3A_180 : i32
      %convert_element_type3A_182 = arith.extui %lt3A_181 : i1 to i32
      %cond3A_183 = arith.constant 0 : i32
      %cond3A_184 = arith.cmpi ne, %convert_element_type3A_182, %cond3A_183 : i32
      scf.if %cond3A_184 {
        %add3A_473 = arith.constant 8 : i32
        %add3A_474 = arith.addi %add3A_140, %add3A_473 : i32
        %mul3A_475 = arith.constant 256 : i32
        %mul3A_476 = arith.muli %add3A_474, %mul3A_475 : i32
        %dma_start3A_477 = arith.constant 1 : i32
        %dma_start3A_478 = arith.constant 1 : i32
        %dma_start3A_479 = tpu.memref_slice %arg4[%dma_start3A_478] : memref<8x!tpu.dma_semaphore, #tpu.memory_space<semaphore_mem>> -> memref<1x!tpu.dma_semaphore, #tpu.memory_space<semaphore_mem>>
        %dma_start3A_480 = tpu.memref_squeeze %dma_start3A_479 : memref<1x!tpu.dma_semaphore, #tpu.memory_space<semaphore_mem>> -> memref<!tpu.dma_semaphore, #tpu.memory_space<semaphore_mem>>
        %dma_start3A_481 = arith.constant 0 : i32
        %dma_start3A_482 = arith.constant 0 : i32
        %dma_start3A_483 = tpu.memref_slice %arg3[%dma_start3A_477, %dma_start3A_481, %dma_start3A_482] : memref<8x256x2000xf32, #tpu.memory_space<vmem>> -> memref<1x256x2000xf32, #tpu.memory_space<vmem>>
        %dma_start3A_484 = tpu.memref_squeeze %dma_start3A_483 : memref<1x256x2000xf32, #tpu.memory_space<vmem>> -> memref<256x2000xf32, #tpu.memory_space<vmem>>
        %dma_start3A_485 = arith.constant 0 : i32
        %dma_start3A_486 = tpu.memref_slice %arg0[%mul3A_476, %dma_start3A_485] : memref<16384x2000xf32, #tpu.memory_space<any>> -> memref<256x2000xf32, #tpu.memory_space<any>>
        tpu.enqueue_dma source(%dma_start3A_486 : memref<256x2000xf32, #tpu.memory_space<any>>) target(%dma_start3A_484 : memref<256x2000xf32, #tpu.memory_space<vmem>>) target_semaphore(%dma_start3A_480 : memref<!tpu.dma_semaphore, #tpu.memory_space<semaphore_mem>>)
      } else {
      }
      %mul3A_185 = arith.constant 8 : i32
      %mul3A_186 = arith.muli %scan3A_97, %mul3A_185 : i32
      %add3A_187 = arith.constant 2 : i32
      %add3A_188 = arith.addi %mul3A_186, %add3A_187 : i32
      %mul3A_189 = arith.constant 256 : i32
      %mul3A_190 = arith.muli %add3A_188, %mul3A_189 : i32
      %dma_wait3A_191 = arith.constant 2 : i32
      %dma_wait3A_192 = arith.constant 2 : i32
      %dma_wait3A_193 = tpu.memref_slice %arg4[%dma_wait3A_192] : memref<8x!tpu.dma_semaphore, #tpu.memory_space<semaphore_mem>> -> memref<1x!tpu.dma_semaphore, #tpu.memory_space<semaphore_mem>>
      %dma_wait3A_194 = tpu.memref_squeeze %dma_wait3A_193 : memref<1x!tpu.dma_semaphore, #tpu.memory_space<semaphore_mem>> -> memref<!tpu.dma_semaphore, #tpu.memory_space<semaphore_mem>>
      %dma_wait3A_195 = arith.constant 0 : i32
      %dma_wait3A_196 = arith.constant 0 : i32
      %dma_wait3A_197 = tpu.memref_slice %arg3[%dma_wait3A_191, %dma_wait3A_195, %dma_wait3A_196] : memref<8x256x2000xf32, #tpu.memory_space<vmem>> -> memref<1x256x2000xf32, #tpu.memory_space<vmem>>
      %dma_wait3A_198 = tpu.memref_squeeze %dma_wait3A_197 : memref<1x256x2000xf32, #tpu.memory_space<vmem>> -> memref<256x2000xf32, #tpu.memory_space<vmem>>
      %dma_wait3A_199 = arith.constant 0 : i32
      %dma_wait3A_200 = tpu.memref_slice %arg0[%mul3A_190, %dma_wait3A_199] : memref<16384x2000xf32, #tpu.memory_space<any>> -> memref<256x2000xf32, #tpu.memory_space<any>>
      tpu.wait_dma2 semaphore(%dma_wait3A_194 : memref<!tpu.dma_semaphore, #tpu.memory_space<semaphore_mem>>) src(%dma_wait3A_200 : memref<256x2000xf32, #tpu.memory_space<any>>) dst(%dma_wait3A_198 : memref<256x2000xf32, #tpu.memory_space<vmem>>)
      %get3A_201 = arith.constant 2 : index
      %get3A_202 = arith.constant 0 : index
      %get3A_203 = arith.constant 0 : index
      %get3A_204 = vector.load %arg3[%get3A_201, %get3A_202, %get3A_203] : memref<8x256x2000xf32, #tpu.memory_space<vmem>>, vector<1x256x2000xf32>
      %get3A_205 = vector.shape_cast %get3A_204 : vector<1x256x2000xf32> to vector<256x2000xf32>
      %mul3A_206 = vector.broadcast %convert_element_type3A : vector<1x2000xf32> to vector<256x2000xf32>
      %mul3A_207 = arith.mulf %get3A_205, %mul3A_206 : vector<256x2000xf32>
      %reduce_sum3A_208 = arith.constant dense<0.000000e+00> : vector<256xf32>
      %reduce_sum3A_209 = vector.multi_reduction <add>, %mul3A_207, %reduce_sum3A_208 [1] : vector<256x2000xf32> to vector<256xf32>
      %convert_element_type3A_210 = arith.fptosi %reduce_sum3A_209 : vector<256xf32> to vector<256xi32>
      %mul3A_211 = arith.constant 256 : i32
      %mul3A_212 = arith.muli %add3A_188, %mul3A_211 : i32
      %shift_right_logical3A_213 = arith.constant 6 : i32
      %shift_right_logical3A_214 = vector.broadcast %shift_right_logical3A_213 : i32 to vector<256xi32>
      %shift_right_logical3A_215 = arith.shrui %convert_element_type3A_210, %shift_right_logical3A_214 : vector<256xi32>
      %swap3A_216 = arith.index_cast %mul3A_212 : i32 to index
      %swap3A_217 = vector.load %arg1[%swap3A_216] : memref<16384xi32, #tpu.memory_space<vmem>>, vector<256xi32>
      tpu.vector_store %arg1[%swap3A_216], %shift_right_logical3A_215 {strides = array<i32>} : memref<16384xi32, #tpu.memory_space<vmem>>, vector<256xi32>,
      %and3A_218 = arith.constant 63 : i32
      %and3A_219 = vector.broadcast %and3A_218 : i32 to vector<256xi32>
      %and3A_220 = arith.andi %convert_element_type3A_210, %and3A_219 : vector<256xi32>
      %shift_left3A_221 = arith.constant 1 : i32
      %shift_left3A_222 = vector.broadcast %shift_left3A_221 : i32 to vector<256xi32>
      %shift_left3A_223 = arith.shli %and3A_220, %shift_left3A_222 : vector<256xi32>
      %swap3A_224 = arith.index_cast %mul3A_212 : i32 to index
      %swap3A_225 = vector.load %arg2[%swap3A_224] : memref<16384xi32, #tpu.memory_space<vmem>>, vector<256xi32>
      tpu.vector_store %arg2[%swap3A_224], %shift_left3A_223 {strides = array<i32>} : memref<16384xi32, #tpu.memory_space<vmem>>, vector<256xi32>,
      %add3A_226 = arith.constant 8 : i32
      %add3A_227 = arith.addi %add3A_188, %add3A_226 : i32
      %lt3A_228 = arith.constant 64 : i32
      %lt3A_229 = arith.cmpi slt, %add3A_227, %lt3A_228 : i32
      %convert_element_type3A_230 = arith.extui %lt3A_229 : i1 to i32
      %cond3A_231 = arith.constant 0 : i32
      %cond3A_232 = arith.cmpi ne, %convert_element_type3A_230, %cond3A_231 : i32
      scf.if %cond3A_232 {
        %add3A_473 = arith.constant 8 : i32
        %add3A_474 = arith.addi %add3A_188, %add3A_473 : i32
        %mul3A_475 = arith.constant 256 : i32
        %mul3A_476 = arith.muli %add3A_474, %mul3A_475 : i32
        %dma_start3A_477 = arith.constant 2 : i32
        %dma_start3A_478 = arith.constant 2 : i32
        %dma_start3A_479 = tpu.memref_slice %arg4[%dma_start3A_478] : memref<8x!tpu.dma_semaphore, #tpu.memory_space<semaphore_mem>> -> memref<1x!tpu.dma_semaphore, #tpu.memory_space<semaphore_mem>>
        %dma_start3A_480 = tpu.memref_squeeze %dma_start3A_479 : memref<1x!tpu.dma_semaphore, #tpu.memory_space<semaphore_mem>> -> memref<!tpu.dma_semaphore, #tpu.memory_space<semaphore_mem>>
        %dma_start3A_481 = arith.constant 0 : i32
        %dma_start3A_482 = arith.constant 0 : i32
        %dma_start3A_483 = tpu.memref_slice %arg3[%dma_start3A_477, %dma_start3A_481, %dma_start3A_482] : memref<8x256x2000xf32, #tpu.memory_space<vmem>> -> memref<1x256x2000xf32, #tpu.memory_space<vmem>>
        %dma_start3A_484 = tpu.memref_squeeze %dma_start3A_483 : memref<1x256x2000xf32, #tpu.memory_space<vmem>> -> memref<256x2000xf32, #tpu.memory_space<vmem>>
        %dma_start3A_485 = arith.constant 0 : i32
        %dma_start3A_486 = tpu.memref_slice %arg0[%mul3A_476, %dma_start3A_485] : memref<16384x2000xf32, #tpu.memory_space<any>> -> memref<256x2000xf32, #tpu.memory_space<any>>
        tpu.enqueue_dma source(%dma_start3A_486 : memref<256x2000xf32, #tpu.memory_space<any>>) target(%dma_start3A_484 : memref<256x2000xf32, #tpu.memory_space<vmem>>) target_semaphore(%dma_start3A_480 : memref<!tpu.dma_semaphore, #tpu.memory_space<semaphore_mem>>)
      } else {
      }
      %mul3A_233 = arith.constant 8 : i32
      %mul3A_234 = arith.muli %scan3A_97, %mul3A_233 : i32
      %add3A_235 = arith.constant 3 : i32
      %add3A_236 = arith.addi %mul3A_234, %add3A_235 : i32
      %mul3A_237 = arith.constant 256 : i32
      %mul3A_238 = arith.muli %add3A_236, %mul3A_237 : i32
      %dma_wait3A_239 = arith.constant 3 : i32
      %dma_wait3A_240 = arith.constant 3 : i32
      %dma_wait3A_241 = tpu.memref_slice %arg4[%dma_wait3A_240] : memref<8x!tpu.dma_semaphore, #tpu.memory_space<semaphore_mem>> -> memref<1x!tpu.dma_semaphore, #tpu.memory_space<semaphore_mem>>
      %dma_wait3A_242 = tpu.memref_squeeze %dma_wait3A_241 : memref<1x!tpu.dma_semaphore, #tpu.memory_space<semaphore_mem>> -> memref<!tpu.dma_semaphore, #tpu.memory_space<semaphore_mem>>
      %dma_wait3A_243 = arith.constant 0 : i32
      %dma_wait3A_244 = arith.constant 0 : i32
      %dma_wait3A_245 = tpu.memref_slice %arg3[%dma_wait3A_239, %dma_wait3A_243, %dma_wait3A_244] : memref<8x256x2000xf32, #tpu.memory_space<vmem>> -> memref<1x256x2000xf32, #tpu.memory_space<vmem>>
      %dma_wait3A_246 = tpu.memref_squeeze %dma_wait3A_245 : memref<1x256x2000xf32, #tpu.memory_space<vmem>> -> memref<256x2000xf32, #tpu.memory_space<vmem>>
      %dma_wait3A_247 = arith.constant 0 : i32
      %dma_wait3A_248 = tpu.memref_slice %arg0[%mul3A_238, %dma_wait3A_247] : memref<16384x2000xf32, #tpu.memory_space<any>> -> memref<256x2000xf32, #tpu.memory_space<any>>
      tpu.wait_dma2 semaphore(%dma_wait3A_242 : memref<!tpu.dma_semaphore, #tpu.memory_space<semaphore_mem>>) src(%dma_wait3A_248 : memref<256x2000xf32, #tpu.memory_space<any>>) dst(%dma_wait3A_246 : memref<256x2000xf32, #tpu.memory_space<vmem>>)
      %get3A_249 = arith.constant 3 : index
      %get3A_250 = arith.constant 0 : index
      %get3A_251 = arith.constant 0 : index
      %get3A_252 = vector.load %arg3[%get3A_249, %get3A_250, %get3A_251] : memref<8x256x2000xf32, #tpu.memory_space<vmem>>, vector<1x256x2000xf32>
      %get3A_253 = vector.shape_cast %get3A_252 : vector<1x256x2000xf32> to vector<256x2000xf32>
      %mul3A_254 = vector.broadcast %convert_element_type3A : vector<1x2000xf32> to vector<256x2000xf32>
      %mul3A_255 = arith.mulf %get3A_253, %mul3A_254 : vector<256x2000xf32>
      %reduce_sum3A_256 = arith.constant dense<0.000000e+00> : vector<256xf32>
      %reduce_sum3A_257 = vector.multi_reduction <add>, %mul3A_255, %reduce_sum3A_256 [1] : vector<256x2000xf32> to vector<256xf32>
      %convert_element_type3A_258 = arith.fptosi %reduce_sum3A_257 : vector<256xf32> to vector<256xi32>
      %mul3A_259 = arith.constant 256 : i32
      %mul3A_260 = arith.muli %add3A_236, %mul3A_259 : i32
      %shift_right_logical3A_261 = arith.constant 6 : i32
      %shift_right_logical3A_262 = vector.broadcast %shift_right_logical3A_261 : i32 to vector<256xi32>
      %shift_right_logical3A_263 = arith.shrui %convert_element_type3A_258, %shift_right_logical3A_262 : vector<256xi32>
      %swap3A_264 = arith.index_cast %mul3A_260 : i32 to index
      %swap3A_265 = vector.load %arg1[%swap3A_264] : memref<16384xi32, #tpu.memory_space<vmem>>, vector<256xi32>
      tpu.vector_store %arg1[%swap3A_264], %shift_right_logical3A_263 {strides = array<i32>} : memref<16384xi32, #tpu.memory_space<vmem>>, vector<256xi32>,
      %and3A_266 = arith.constant 63 : i32
      %and3A_267 = vector.broadcast %and3A_266 : i32 to vector<256xi32>
      %and3A_268 = arith.andi %convert_element_type3A_258, %and3A_267 : vector<256xi32>
      %shift_left3A_269 = arith.constant 1 : i32
      %shift_left3A_270 = vector.broadcast %shift_left3A_269 : i32 to vector<256xi32>
      %shift_left3A_271 = arith.shli %and3A_268, %shift_left3A_270 : vector<256xi32>
      %swap3A_272 = arith.index_cast %mul3A_260 : i32 to index
      %swap3A_273 = vector.load %arg2[%swap3A_272] : memref<16384xi32, #tpu.memory_space<vmem>>, vector<256xi32>
      tpu.vector_store %arg2[%swap3A_272], %shift_left3A_271 {strides = array<i32>} : memref<16384xi32, #tpu.memory_space<vmem>>, vector<256xi32>,
      %add3A_274 = arith.constant 8 : i32
      %add3A_275 = arith.addi %add3A_236, %add3A_274 : i32
      %lt3A_276 = arith.constant 64 : i32
      %lt3A_277 = arith.cmpi slt, %add3A_275, %lt3A_276 : i32
      %convert_element_type3A_278 = arith.extui %lt3A_277 : i1 to i32
      %cond3A_279 = arith.constant 0 : i32
      %cond3A_280 = arith.cmpi ne, %convert_element_type3A_278, %cond3A_279 : i32
      scf.if %cond3A_280 {
        %add3A_473 = arith.constant 8 : i32
        %add3A_474 = arith.addi %add3A_236, %add3A_473 : i32
        %mul3A_475 = arith.constant 256 : i32
        %mul3A_476 = arith.muli %add3A_474, %mul3A_475 : i32
        %dma_start3A_477 = arith.constant 3 : i32
        %dma_start3A_478 = arith.constant 3 : i32
        %dma_start3A_479 = tpu.memref_slice %arg4[%dma_start3A_478] : memref<8x!tpu.dma_semaphore, #tpu.memory_space<semaphore_mem>> -> memref<1x!tpu.dma_semaphore, #tpu.memory_space<semaphore_mem>>
        %dma_start3A_480 = tpu.memref_squeeze %dma_start3A_479 : memref<1x!tpu.dma_semaphore, #tpu.memory_space<semaphore_mem>> -> memref<!tpu.dma_semaphore, #tpu.memory_space<semaphore_mem>>
        %dma_start3A_481 = arith.constant 0 : i32
        %dma_start3A_482 = arith.constant 0 : i32
        %dma_start3A_483 = tpu.memref_slice %arg3[%dma_start3A_477, %dma_start3A_481, %dma_start3A_482] : memref<8x256x2000xf32, #tpu.memory_space<vmem>> -> memref<1x256x2000xf32, #tpu.memory_space<vmem>>
        %dma_start3A_484 = tpu.memref_squeeze %dma_start3A_483 : memref<1x256x2000xf32, #tpu.memory_space<vmem>> -> memref<256x2000xf32, #tpu.memory_space<vmem>>
        %dma_start3A_485 = arith.constant 0 : i32
        %dma_start3A_486 = tpu.memref_slice %arg0[%mul3A_476, %dma_start3A_485] : memref<16384x2000xf32, #tpu.memory_space<any>> -> memref<256x2000xf32, #tpu.memory_space<any>>
        tpu.enqueue_dma source(%dma_start3A_486 : memref<256x2000xf32, #tpu.memory_space<any>>) target(%dma_start3A_484 : memref<256x2000xf32, #tpu.memory_space<vmem>>) target_semaphore(%dma_start3A_480 : memref<!tpu.dma_semaphore, #tpu.memory_space<semaphore_mem>>)
      } else {
      }
      %mul3A_281 = arith.constant 8 : i32
      %mul3A_282 = arith.muli %scan3A_97, %mul3A_281 : i32
      %add3A_283 = arith.constant 4 : i32
      %add3A_284 = arith.addi %mul3A_282, %add3A_283 : i32
      %mul3A_285 = arith.constant 256 : i32
      %mul3A_286 = arith.muli %add3A_284, %mul3A_285 : i32
      %dma_wait3A_287 = arith.constant 4 : i32
      %dma_wait3A_288 = arith.constant 4 : i32
      %dma_wait3A_289 = tpu.memref_slice %arg4[%dma_wait3A_288] : memref<8x!tpu.dma_semaphore, #tpu.memory_space<semaphore_mem>> -> memref<1x!tpu.dma_semaphore, #tpu.memory_space<semaphore_mem>>
      %dma_wait3A_290 = tpu.memref_squeeze %dma_wait3A_289 : memref<1x!tpu.dma_semaphore, #tpu.memory_space<semaphore_mem>> -> memref<!tpu.dma_semaphore, #tpu.memory_space<semaphore_mem>>
      %dma_wait3A_291 = arith.constant 0 : i32
      %dma_wait3A_292 = arith.constant 0 : i32
      %dma_wait3A_293 = tpu.memref_slice %arg3[%dma_wait3A_287, %dma_wait3A_291, %dma_wait3A_292] : memref<8x256x2000xf32, #tpu.memory_space<vmem>> -> memref<1x256x2000xf32, #tpu.memory_space<vmem>>
      %dma_wait3A_294 = tpu.memref_squeeze %dma_wait3A_293 : memref<1x256x2000xf32, #tpu.memory_space<vmem>> -> memref<256x2000xf32, #tpu.memory_space<vmem>>
      %dma_wait3A_295 = arith.constant 0 : i32
      %dma_wait3A_296 = tpu.memref_slice %arg0[%mul3A_286, %dma_wait3A_295] : memref<16384x2000xf32, #tpu.memory_space<any>> -> memref<256x2000xf32, #tpu.memory_space<any>>
      tpu.wait_dma2 semaphore(%dma_wait3A_290 : memref<!tpu.dma_semaphore, #tpu.memory_space<semaphore_mem>>) src(%dma_wait3A_296 : memref<256x2000xf32, #tpu.memory_space<any>>) dst(%dma_wait3A_294 : memref<256x2000xf32, #tpu.memory_space<vmem>>)
      %get3A_297 = arith.constant 4 : index
      %get3A_298 = arith.constant 0 : index
      %get3A_299 = arith.constant 0 : index
      %get3A_300 = vector.load %arg3[%get3A_297, %get3A_298, %get3A_299] : memref<8x256x2000xf32, #tpu.memory_space<vmem>>, vector<1x256x2000xf32>
      %get3A_301 = vector.shape_cast %get3A_300 : vector<1x256x2000xf32> to vector<256x2000xf32>
      %mul3A_302 = vector.broadcast %convert_element_type3A : vector<1x2000xf32> to vector<256x2000xf32>
      %mul3A_303 = arith.mulf %get3A_301, %mul3A_302 : vector<256x2000xf32>
      %reduce_sum3A_304 = arith.constant dense<0.000000e+00> : vector<256xf32>
      %reduce_sum3A_305 = vector.multi_reduction <add>, %mul3A_303, %reduce_sum3A_304 [1] : vector<256x2000xf32> to vector<256xf32>
      %convert_element_type3A_306 = arith.fptosi %reduce_sum3A_305 : vector<256xf32> to vector<256xi32>
      %mul3A_307 = arith.constant 256 : i32
      %mul3A_308 = arith.muli %add3A_284, %mul3A_307 : i32
      %shift_right_logical3A_309 = arith.constant 6 : i32
      %shift_right_logical3A_310 = vector.broadcast %shift_right_logical3A_309 : i32 to vector<256xi32>
      %shift_right_logical3A_311 = arith.shrui %convert_element_type3A_306, %shift_right_logical3A_310 : vector<256xi32>
      %swap3A_312 = arith.index_cast %mul3A_308 : i32 to index
      %swap3A_313 = vector.load %arg1[%swap3A_312] : memref<16384xi32, #tpu.memory_space<vmem>>, vector<256xi32>
      tpu.vector_store %arg1[%swap3A_312], %shift_right_logical3A_311 {strides = array<i32>} : memref<16384xi32, #tpu.memory_space<vmem>>, vector<256xi32>,
      %and3A_314 = arith.constant 63 : i32
      %and3A_315 = vector.broadcast %and3A_314 : i32 to vector<256xi32>
      %and3A_316 = arith.andi %convert_element_type3A_306, %and3A_315 : vector<256xi32>
      %shift_left3A_317 = arith.constant 1 : i32
      %shift_left3A_318 = vector.broadcast %shift_left3A_317 : i32 to vector<256xi32>
      %shift_left3A_319 = arith.shli %and3A_316, %shift_left3A_318 : vector<256xi32>
      %swap3A_320 = arith.index_cast %mul3A_308 : i32 to index
      %swap3A_321 = vector.load %arg2[%swap3A_320] : memref<16384xi32, #tpu.memory_space<vmem>>, vector<256xi32>
      tpu.vector_store %arg2[%swap3A_320], %shift_left3A_319 {strides = array<i32>} : memref<16384xi32, #tpu.memory_space<vmem>>, vector<256xi32>,
      %add3A_322 = arith.constant 8 : i32
      %add3A_323 = arith.addi %add3A_284, %add3A_322 : i32
      %lt3A_324 = arith.constant 64 : i32
      %lt3A_325 = arith.cmpi slt, %add3A_323, %lt3A_324 : i32
      %convert_element_type3A_326 = arith.extui %lt3A_325 : i1 to i32
      %cond3A_327 = arith.constant 0 : i32
      %cond3A_328 = arith.cmpi ne, %convert_element_type3A_326, %cond3A_327 : i32
      scf.if %cond3A_328 {
        %add3A_473 = arith.constant 8 : i32
        %add3A_474 = arith.addi %add3A_284, %add3A_473 : i32
        %mul3A_475 = arith.constant 256 : i32
        %mul3A_476 = arith.muli %add3A_474, %mul3A_475 : i32
        %dma_start3A_477 = arith.constant 4 : i32
        %dma_start3A_478 = arith.constant 4 : i32
        %dma_start3A_479 = tpu.memref_slice %arg4[%dma_start3A_478] : memref<8x!tpu.dma_semaphore, #tpu.memory_space<semaphore_mem>> -> memref<1x!tpu.dma_semaphore, #tpu.memory_space<semaphore_mem>>
        %dma_start3A_480 = tpu.memref_squeeze %dma_start3A_479 : memref<1x!tpu.dma_semaphore, #tpu.memory_space<semaphore_mem>> -> memref<!tpu.dma_semaphore, #tpu.memory_space<semaphore_mem>>
        %dma_start3A_481 = arith.constant 0 : i32
        %dma_start3A_482 = arith.constant 0 : i32
        %dma_start3A_483 = tpu.memref_slice %arg3[%dma_start3A_477, %dma_start3A_481, %dma_start3A_482] : memref<8x256x2000xf32, #tpu.memory_space<vmem>> -> memref<1x256x2000xf32, #tpu.memory_space<vmem>>
        %dma_start3A_484 = tpu.memref_squeeze %dma_start3A_483 : memref<1x256x2000xf32, #tpu.memory_space<vmem>> -> memref<256x2000xf32, #tpu.memory_space<vmem>>
        %dma_start3A_485 = arith.constant 0 : i32
        %dma_start3A_486 = tpu.memref_slice %arg0[%mul3A_476, %dma_start3A_485] : memref<16384x2000xf32, #tpu.memory_space<any>> -> memref<256x2000xf32, #tpu.memory_space<any>>
        tpu.enqueue_dma source(%dma_start3A_486 : memref<256x2000xf32, #tpu.memory_space<any>>) target(%dma_start3A_484 : memref<256x2000xf32, #tpu.memory_space<vmem>>) target_semaphore(%dma_start3A_480 : memref<!tpu.dma_semaphore, #tpu.memory_space<semaphore_mem>>)
      } else {
      }
      %mul3A_329 = arith.constant 8 : i32
      %mul3A_330 = arith.muli %scan3A_97, %mul3A_329 : i32
      %add3A_331 = arith.constant 5 : i32
      %add3A_332 = arith.addi %mul3A_330, %add3A_331 : i32
      %mul3A_333 = arith.constant 256 : i32
      %mul3A_334 = arith.muli %add3A_332, %mul3A_333 : i32
      %dma_wait3A_335 = arith.constant 5 : i32
      %dma_wait3A_336 = arith.constant 5 : i32
      %dma_wait3A_337 = tpu.memref_slice %arg4[%dma_wait3A_336] : memref<8x!tpu.dma_semaphore, #tpu.memory_space<semaphore_mem>> -> memref<1x!tpu.dma_semaphore, #tpu.memory_space<semaphore_mem>>
      %dma_wait3A_338 = tpu.memref_squeeze %dma_wait3A_337 : memref<1x!tpu.dma_semaphore, #tpu.memory_space<semaphore_mem>> -> memref<!tpu.dma_semaphore, #tpu.memory_space<semaphore_mem>>
      %dma_wait3A_339 = arith.constant 0 : i32
      %dma_wait3A_340 = arith.constant 0 : i32
      %dma_wait3A_341 = tpu.memref_slice %arg3[%dma_wait3A_335, %dma_wait3A_339, %dma_wait3A_340] : memref<8x256x2000xf32, #tpu.memory_space<vmem>> -> memref<1x256x2000xf32, #tpu.memory_space<vmem>>
      %dma_wait3A_342 = tpu.memref_squeeze %dma_wait3A_341 : memref<1x256x2000xf32, #tpu.memory_space<vmem>> -> memref<256x2000xf32, #tpu.memory_space<vmem>>
      %dma_wait3A_343 = arith.constant 0 : i32
      %dma_wait3A_344 = tpu.memref_slice %arg0[%mul3A_334, %dma_wait3A_343] : memref<16384x2000xf32, #tpu.memory_space<any>> -> memref<256x2000xf32, #tpu.memory_space<any>>
      tpu.wait_dma2 semaphore(%dma_wait3A_338 : memref<!tpu.dma_semaphore, #tpu.memory_space<semaphore_mem>>) src(%dma_wait3A_344 : memref<256x2000xf32, #tpu.memory_space<any>>) dst(%dma_wait3A_342 : memref<256x2000xf32, #tpu.memory_space<vmem>>)
      %get3A_345 = arith.constant 5 : index
      %get3A_346 = arith.constant 0 : index
      %get3A_347 = arith.constant 0 : index
      %get3A_348 = vector.load %arg3[%get3A_345, %get3A_346, %get3A_347] : memref<8x256x2000xf32, #tpu.memory_space<vmem>>, vector<1x256x2000xf32>
      %get3A_349 = vector.shape_cast %get3A_348 : vector<1x256x2000xf32> to vector<256x2000xf32>
      %mul3A_350 = vector.broadcast %convert_element_type3A : vector<1x2000xf32> to vector<256x2000xf32>
      %mul3A_351 = arith.mulf %get3A_349, %mul3A_350 : vector<256x2000xf32>
      %reduce_sum3A_352 = arith.constant dense<0.000000e+00> : vector<256xf32>
      %reduce_sum3A_353 = vector.multi_reduction <add>, %mul3A_351, %reduce_sum3A_352 [1] : vector<256x2000xf32> to vector<256xf32>
      %convert_element_type3A_354 = arith.fptosi %reduce_sum3A_353 : vector<256xf32> to vector<256xi32>
      %mul3A_355 = arith.constant 256 : i32
      %mul3A_356 = arith.muli %add3A_332, %mul3A_355 : i32
      %shift_right_logical3A_357 = arith.constant 6 : i32
      %shift_right_logical3A_358 = vector.broadcast %shift_right_logical3A_357 : i32 to vector<256xi32>
      %shift_right_logical3A_359 = arith.shrui %convert_element_type3A_354, %shift_right_logical3A_358 : vector<256xi32>
      %swap3A_360 = arith.index_cast %mul3A_356 : i32 to index
      %swap3A_361 = vector.load %arg1[%swap3A_360] : memref<16384xi32, #tpu.memory_space<vmem>>, vector<256xi32>
      tpu.vector_store %arg1[%swap3A_360], %shift_right_logical3A_359 {strides = array<i32>} : memref<16384xi32, #tpu.memory_space<vmem>>, vector<256xi32>,
      %and3A_362 = arith.constant 63 : i32
      %and3A_363 = vector.broadcast %and3A_362 : i32 to vector<256xi32>
      %and3A_364 = arith.andi %convert_element_type3A_354, %and3A_363 : vector<256xi32>
      %shift_left3A_365 = arith.constant 1 : i32
      %shift_left3A_366 = vector.broadcast %shift_left3A_365 : i32 to vector<256xi32>
      %shift_left3A_367 = arith.shli %and3A_364, %shift_left3A_366 : vector<256xi32>
      %swap3A_368 = arith.index_cast %mul3A_356 : i32 to index
      %swap3A_369 = vector.load %arg2[%swap3A_368] : memref<16384xi32, #tpu.memory_space<vmem>>, vector<256xi32>
      tpu.vector_store %arg2[%swap3A_368], %shift_left3A_367 {strides = array<i32>} : memref<16384xi32, #tpu.memory_space<vmem>>, vector<256xi32>,
      %add3A_370 = arith.constant 8 : i32
      %add3A_371 = arith.addi %add3A_332, %add3A_370 : i32
      %lt3A_372 = arith.constant 64 : i32
      %lt3A_373 = arith.cmpi slt, %add3A_371, %lt3A_372 : i32
      %convert_element_type3A_374 = arith.extui %lt3A_373 : i1 to i32
      %cond3A_375 = arith.constant 0 : i32
      %cond3A_376 = arith.cmpi ne, %convert_element_type3A_374, %cond3A_375 : i32
      scf.if %cond3A_376 {
        %add3A_473 = arith.constant 8 : i32
        %add3A_474 = arith.addi %add3A_332, %add3A_473 : i32
        %mul3A_475 = arith.constant 256 : i32
        %mul3A_476 = arith.muli %add3A_474, %mul3A_475 : i32
        %dma_start3A_477 = arith.constant 5 : i32
        %dma_start3A_478 = arith.constant 5 : i32
        %dma_start3A_479 = tpu.memref_slice %arg4[%dma_start3A_478] : memref<8x!tpu.dma_semaphore, #tpu.memory_space<semaphore_mem>> -> memref<1x!tpu.dma_semaphore, #tpu.memory_space<semaphore_mem>>
        %dma_start3A_480 = tpu.memref_squeeze %dma_start3A_479 : memref<1x!tpu.dma_semaphore, #tpu.memory_space<semaphore_mem>> -> memref<!tpu.dma_semaphore, #tpu.memory_space<semaphore_mem>>
        %dma_start3A_481 = arith.constant 0 : i32
        %dma_start3A_482 = arith.constant 0 : i32
        %dma_start3A_483 = tpu.memref_slice %arg3[%dma_start3A_477, %dma_start3A_481, %dma_start3A_482] : memref<8x256x2000xf32, #tpu.memory_space<vmem>> -> memref<1x256x2000xf32, #tpu.memory_space<vmem>>
        %dma_start3A_484 = tpu.memref_squeeze %dma_start3A_483 : memref<1x256x2000xf32, #tpu.memory_space<vmem>> -> memref<256x2000xf32, #tpu.memory_space<vmem>>
        %dma_start3A_485 = arith.constant 0 : i32
        %dma_start3A_486 = tpu.memref_slice %arg0[%mul3A_476, %dma_start3A_485] : memref<16384x2000xf32, #tpu.memory_space<any>> -> memref<256x2000xf32, #tpu.memory_space<any>>
        tpu.enqueue_dma source(%dma_start3A_486 : memref<256x2000xf32, #tpu.memory_space<any>>) target(%dma_start3A_484 : memref<256x2000xf32, #tpu.memory_space<vmem>>) target_semaphore(%dma_start3A_480 : memref<!tpu.dma_semaphore, #tpu.memory_space<semaphore_mem>>)
      } else {
      }
      %mul3A_377 = arith.constant 8 : i32
      %mul3A_378 = arith.muli %scan3A_97, %mul3A_377 : i32
      %add3A_379 = arith.constant 6 : i32
      %add3A_380 = arith.addi %mul3A_378, %add3A_379 : i32
      %mul3A_381 = arith.constant 256 : i32
      %mul3A_382 = arith.muli %add3A_380, %mul3A_381 : i32
      %dma_wait3A_383 = arith.constant 6 : i32
      %dma_wait3A_384 = arith.constant 6 : i32
      %dma_wait3A_385 = tpu.memref_slice %arg4[%dma_wait3A_384] : memref<8x!tpu.dma_semaphore, #tpu.memory_space<semaphore_mem>> -> memref<1x!tpu.dma_semaphore, #tpu.memory_space<semaphore_mem>>
      %dma_wait3A_386 = tpu.memref_squeeze %dma_wait3A_385 : memref<1x!tpu.dma_semaphore, #tpu.memory_space<semaphore_mem>> -> memref<!tpu.dma_semaphore, #tpu.memory_space<semaphore_mem>>
      %dma_wait3A_387 = arith.constant 0 : i32
      %dma_wait3A_388 = arith.constant 0 : i32
      %dma_wait3A_389 = tpu.memref_slice %arg3[%dma_wait3A_383, %dma_wait3A_387, %dma_wait3A_388] : memref<8x256x2000xf32, #tpu.memory_space<vmem>> -> memref<1x256x2000xf32, #tpu.memory_space<vmem>>
      %dma_wait3A_390 = tpu.memref_squeeze %dma_wait3A_389 : memref<1x256x2000xf32, #tpu.memory_space<vmem>> -> memref<256x2000xf32, #tpu.memory_space<vmem>>
      %dma_wait3A_391 = arith.constant 0 : i32
      %dma_wait3A_392 = tpu.memref_slice %arg0[%mul3A_382, %dma_wait3A_391] : memref<16384x2000xf32, #tpu.memory_space<any>> -> memref<256x2000xf32, #tpu.memory_space<any>>
      tpu.wait_dma2 semaphore(%dma_wait3A_386 : memref<!tpu.dma_semaphore, #tpu.memory_space<semaphore_mem>>) src(%dma_wait3A_392 : memref<256x2000xf32, #tpu.memory_space<any>>) dst(%dma_wait3A_390 : memref<256x2000xf32, #tpu.memory_space<vmem>>)
      %get3A_393 = arith.constant 6 : index
      %get3A_394 = arith.constant 0 : index
      %get3A_395 = arith.constant 0 : index
      %get3A_396 = vector.load %arg3[%get3A_393, %get3A_394, %get3A_395] : memref<8x256x2000xf32, #tpu.memory_space<vmem>>, vector<1x256x2000xf32>
      %get3A_397 = vector.shape_cast %get3A_396 : vector<1x256x2000xf32> to vector<256x2000xf32>
      %mul3A_398 = vector.broadcast %convert_element_type3A : vector<1x2000xf32> to vector<256x2000xf32>
      %mul3A_399 = arith.mulf %get3A_397, %mul3A_398 : vector<256x2000xf32>
      %reduce_sum3A_400 = arith.constant dense<0.000000e+00> : vector<256xf32>
      %reduce_sum3A_401 = vector.multi_reduction <add>, %mul3A_399, %reduce_sum3A_400 [1] : vector<256x2000xf32> to vector<256xf32>
      %convert_element_type3A_402 = arith.fptosi %reduce_sum3A_401 : vector<256xf32> to vector<256xi32>
      %mul3A_403 = arith.constant 256 : i32
      %mul3A_404 = arith.muli %add3A_380, %mul3A_403 : i32
      %shift_right_logical3A_405 = arith.constant 6 : i32
      %shift_right_logical3A_406 = vector.broadcast %shift_right_logical3A_405 : i32 to vector<256xi32>
      %shift_right_logical3A_407 = arith.shrui %convert_element_type3A_402, %shift_right_logical3A_406 : vector<256xi32>
      %swap3A_408 = arith.index_cast %mul3A_404 : i32 to index
      %swap3A_409 = vector.load %arg1[%swap3A_408] : memref<16384xi32, #tpu.memory_space<vmem>>, vector<256xi32>
      tpu.vector_store %arg1[%swap3A_408], %shift_right_logical3A_407 {strides = array<i32>} : memref<16384xi32, #tpu.memory_space<vmem>>, vector<256xi32>,
      %and3A_410 = arith.constant 63 : i32
      %and3A_411 = vector.broadcast %and3A_410 : i32 to vector<256xi32>
      %and3A_412 = arith.andi %convert_element_type3A_402, %and3A_411 : vector<256xi32>
      %shift_left3A_413 = arith.constant 1 : i32
      %shift_left3A_414 = vector.broadcast %shift_left3A_413 : i32 to vector<256xi32>
      %shift_left3A_415 = arith.shli %and3A_412, %shift_left3A_414 : vector<256xi32>
      %swap3A_416 = arith.index_cast %mul3A_404 : i32 to index
      %swap3A_417 = vector.load %arg2[%swap3A_416] : memref<16384xi32, #tpu.memory_space<vmem>>, vector<256xi32>
      tpu.vector_store %arg2[%swap3A_416], %shift_left3A_415 {strides = array<i32>} : memref<16384xi32, #tpu.memory_space<vmem>>, vector<256xi32>,
      %add3A_418 = arith.constant 8 : i32
      %add3A_419 = arith.addi %add3A_380, %add3A_418 : i32
      %lt3A_420 = arith.constant 64 : i32
      %lt3A_421 = arith.cmpi slt, %add3A_419, %lt3A_420 : i32
      %convert_element_type3A_422 = arith.extui %lt3A_421 : i1 to i32
      %cond3A_423 = arith.constant 0 : i32
      %cond3A_424 = arith.cmpi ne, %convert_element_type3A_422, %cond3A_423 : i32
      scf.if %cond3A_424 {
        %add3A_473 = arith.constant 8 : i32
        %add3A_474 = arith.addi %add3A_380, %add3A_473 : i32
        %mul3A_475 = arith.constant 256 : i32
        %mul3A_476 = arith.muli %add3A_474, %mul3A_475 : i32
        %dma_start3A_477 = arith.constant 6 : i32
        %dma_start3A_478 = arith.constant 6 : i32
        %dma_start3A_479 = tpu.memref_slice %arg4[%dma_start3A_478] : memref<8x!tpu.dma_semaphore, #tpu.memory_space<semaphore_mem>> -> memref<1x!tpu.dma_semaphore, #tpu.memory_space<semaphore_mem>>
        %dma_start3A_480 = tpu.memref_squeeze %dma_start3A_479 : memref<1x!tpu.dma_semaphore, #tpu.memory_space<semaphore_mem>> -> memref<!tpu.dma_semaphore, #tpu.memory_space<semaphore_mem>>
        %dma_start3A_481 = arith.constant 0 : i32
        %dma_start3A_482 = arith.constant 0 : i32
        %dma_start3A_483 = tpu.memref_slice %arg3[%dma_start3A_477, %dma_start3A_481, %dma_start3A_482] : memref<8x256x2000xf32, #tpu.memory_space<vmem>> -> memref<1x256x2000xf32, #tpu.memory_space<vmem>>
        %dma_start3A_484 = tpu.memref_squeeze %dma_start3A_483 : memref<1x256x2000xf32, #tpu.memory_space<vmem>> -> memref<256x2000xf32, #tpu.memory_space<vmem>>
        %dma_start3A_485 = arith.constant 0 : i32
        %dma_start3A_486 = tpu.memref_slice %arg0[%mul3A_476, %dma_start3A_485] : memref<16384x2000xf32, #tpu.memory_space<any>> -> memref<256x2000xf32, #tpu.memory_space<any>>
        tpu.enqueue_dma source(%dma_start3A_486 : memref<256x2000xf32, #tpu.memory_space<any>>) target(%dma_start3A_484 : memref<256x2000xf32, #tpu.memory_space<vmem>>) target_semaphore(%dma_start3A_480 : memref<!tpu.dma_semaphore, #tpu.memory_space<semaphore_mem>>)
      } else {
      }
      %mul3A_425 = arith.constant 8 : i32
      %mul3A_426 = arith.muli %scan3A_97, %mul3A_425 : i32
      %add3A_427 = arith.constant 7 : i32
      %add3A_428 = arith.addi %mul3A_426, %add3A_427 : i32
      %mul3A_429 = arith.constant 256 : i32
      %mul3A_430 = arith.muli %add3A_428, %mul3A_429 : i32
      %dma_wait3A_431 = arith.constant 7 : i32
      %dma_wait3A_432 = arith.constant 7 : i32
      %dma_wait3A_433 = tpu.memref_slice %arg4[%dma_wait3A_432] : memref<8x!tpu.dma_semaphore, #tpu.memory_space<semaphore_mem>> -> memref<1x!tpu.dma_semaphore, #tpu.memory_space<semaphore_mem>>
      %dma_wait3A_434 = tpu.memref_squeeze %dma_wait3A_433 : memref<1x!tpu.dma_semaphore, #tpu.memory_space<semaphore_mem>> -> memref<!tpu.dma_semaphore, #tpu.memory_space<semaphore_mem>>
      %dma_wait3A_435 = arith.constant 0 : i32
      %dma_wait3A_436 = arith.constant 0 : i32
      %dma_wait3A_437 = tpu.memref_slice %arg3[%dma_wait3A_431, %dma_wait3A_435, %dma_wait3A_436] : memref<8x256x2000xf32, #tpu.memory_space<vmem>> -> memref<1x256x2000xf32, #tpu.memory_space<vmem>>
      %dma_wait3A_438 = tpu.memref_squeeze %dma_wait3A_437 : memref<1x256x2000xf32, #tpu.memory_space<vmem>> -> memref<256x2000xf32, #tpu.memory_space<vmem>>
      %dma_wait3A_439 = arith.constant 0 : i32
      %dma_wait3A_440 = tpu.memref_slice %arg0[%mul3A_430, %dma_wait3A_439] : memref<16384x2000xf32, #tpu.memory_space<any>> -> memref<256x2000xf32, #tpu.memory_space<any>>
      tpu.wait_dma2 semaphore(%dma_wait3A_434 : memref<!tpu.dma_semaphore, #tpu.memory_space<semaphore_mem>>) src(%dma_wait3A_440 : memref<256x2000xf32, #tpu.memory_space<any>>) dst(%dma_wait3A_438 : memref<256x2000xf32, #tpu.memory_space<vmem>>)
      %get3A_441 = arith.constant 7 : index
      %get3A_442 = arith.constant 0 : index
      %get3A_443 = arith.constant 0 : index
      %get3A_444 = vector.load %arg3[%get3A_441, %get3A_442, %get3A_443] : memref<8x256x2000xf32, #tpu.memory_space<vmem>>, vector<1x256x2000xf32>
      %get3A_445 = vector.shape_cast %get3A_444 : vector<1x256x2000xf32> to vector<256x2000xf32>
      %mul3A_446 = vector.broadcast %convert_element_type3A : vector<1x2000xf32> to vector<256x2000xf32>
      %mul3A_447 = arith.mulf %get3A_445, %mul3A_446 : vector<256x2000xf32>
      %reduce_sum3A_448 = arith.constant dense<0.000000e+00> : vector<256xf32>
      %reduce_sum3A_449 = vector.multi_reduction <add>, %mul3A_447, %reduce_sum3A_448 [1] : vector<256x2000xf32> to vector<256xf32>
      %convert_element_type3A_450 = arith.fptosi %reduce_sum3A_449 : vector<256xf32> to vector<256xi32>
      %mul3A_451 = arith.constant 256 : i32
      %mul3A_452 = arith.muli %add3A_428, %mul3A_451 : i32
      %shift_right_logical3A_453 = arith.constant 6 : i32
      %shift_right_logical3A_454 = vector.broadcast %shift_right_logical3A_453 : i32 to vector<256xi32>
      %shift_right_logical3A_455 = arith.shrui %convert_element_type3A_450, %shift_right_logical3A_454 : vector<256xi32>
      %swap3A_456 = arith.index_cast %mul3A_452 : i32 to index
      %swap3A_457 = vector.load %arg1[%swap3A_456] : memref<16384xi32, #tpu.memory_space<vmem>>, vector<256xi32>
      tpu.vector_store %arg1[%swap3A_456], %shift_right_logical3A_455 {strides = array<i32>} : memref<16384xi32, #tpu.memory_space<vmem>>, vector<256xi32>,
      %and3A_458 = arith.constant 63 : i32
      %and3A_459 = vector.broadcast %and3A_458 : i32 to vector<256xi32>
      %and3A_460 = arith.andi %convert_element_type3A_450, %and3A_459 : vector<256xi32>
      %shift_left3A_461 = arith.constant 1 : i32
      %shift_left3A_462 = vector.broadcast %shift_left3A_461 : i32 to vector<256xi32>
      %shift_left3A_463 = arith.shli %and3A_460, %shift_left3A_462 : vector<256xi32>
      %swap3A_464 = arith.index_cast %mul3A_452 : i32 to index
      %swap3A_465 = vector.load %arg2[%swap3A_464] : memref<16384xi32, #tpu.memory_space<vmem>>, vector<256xi32>
      tpu.vector_store %arg2[%swap3A_464], %shift_left3A_463 {strides = array<i32>} : memref<16384xi32, #tpu.memory_space<vmem>>, vector<256xi32>,
      %add3A_466 = arith.constant 8 : i32
      %add3A_467 = arith.addi %add3A_428, %add3A_466 : i32
      %lt3A_468 = arith.constant 64 : i32
      %lt3A_469 = arith.cmpi slt, %add3A_467, %lt3A_468 : i32
      %convert_element_type3A_470 = arith.extui %lt3A_469 : i1 to i32
      %cond3A_471 = arith.constant 0 : i32
      %cond3A_472 = arith.cmpi ne, %convert_element_type3A_470, %cond3A_471 : i32
      scf.if %cond3A_472 {
        %add3A_473 = arith.constant 8 : i32
        %add3A_474 = arith.addi %add3A_428, %add3A_473 : i32
        %mul3A_475 = arith.constant 256 : i32
        %mul3A_476 = arith.muli %add3A_474, %mul3A_475 : i32
        %dma_start3A_477 = arith.constant 7 : i32
        %dma_start3A_478 = arith.constant 7 : i32
        %dma_start3A_479 = tpu.memref_slice %arg4[%dma_start3A_478] : memref<8x!tpu.dma_semaphore, #tpu.memory_space<semaphore_mem>> -> memref<1x!tpu.dma_semaphore, #tpu.memory_space<semaphore_mem>>
        %dma_start3A_480 = tpu.memref_squeeze %dma_start3A_479 : memref<1x!tpu.dma_semaphore, #tpu.memory_space<semaphore_mem>> -> memref<!tpu.dma_semaphore, #tpu.memory_space<semaphore_mem>>
        %dma_start3A_481 = arith.constant 0 : i32
        %dma_start3A_482 = arith.constant 0 : i32
        %dma_start3A_483 = tpu.memref_slice %arg3[%dma_start3A_477, %dma_start3A_481, %dma_start3A_482] : memref<8x256x2000xf32, #tpu.memory_space<vmem>> -> memref<1x256x2000xf32, #tpu.memory_space<vmem>>
        %dma_start3A_484 = tpu.memref_squeeze %dma_start3A_483 : memref<1x256x2000xf32, #tpu.memory_space<vmem>> -> memref<256x2000xf32, #tpu.memory_space<vmem>>
        %dma_start3A_485 = arith.constant 0 : i32
        %dma_start3A_486 = tpu.memref_slice %arg0[%mul3A_476, %dma_start3A_485] : memref<16384x2000xf32, #tpu.memory_space<any>> -> memref<256x2000xf32, #tpu.memory_space<any>>
        tpu.enqueue_dma source(%dma_start3A_486 : memref<256x2000xf32, #tpu.memory_space<any>>) target(%dma_start3A_484 : memref<256x2000xf32, #tpu.memory_space<vmem>>) target_semaphore(%dma_start3A_480 : memref<!tpu.dma_semaphore, #tpu.memory_space<semaphore_mem>>)
      } else {
      }
    }
    %scan3A_96 = arith.constant 8 : i32
    return
  }
}

module attributes {stable_mosaic.version = 14 : i64} {
  func.func @_extract_body(%arg0: i32, %arg1: memref<512x128xi32, #tpu.memory_space<vmem>>, %arg2: memref<512xi32, #tpu.memory_space<vmem>>, %arg3: memref<512x2xi32, #tpu.memory_space<vmem>>) attributes {dimension_semantics = [#tpu.dimension_semantics<arbitrary>], iteration_bounds = array<i64: 32>, scalar_prefetch = 0 : i64, scratch_operands = 0 : i64, tpu.core_type = #tpu.core_type<tc>, window_params = [{transform_indices = @transform_0, window_bounds = array<i64: 512, 128>}, {transform_indices = @transform_1, window_bounds = array<i64: 512>}, {transform_indices = @transform_2, window_bounds = array<i64: 512, 2>}]} {
    %get3A = arith.constant 0 : index
    %get3A_0 = arith.constant 0 : index
    %get3A_1 = vector.load %arg1[%get3A, %get3A_0] : memref<512x128xi32, #tpu.memory_space<vmem>>, vector<512x128xi32>
    %get3A_2 = arith.constant 0 : index
    %get3A_3 = vector.load %arg2[%get3A_2] : memref<512xi32, #tpu.memory_space<vmem>>, vector<512xi32>
    %broadcast_in_dim3A = vector.shape_cast %get3A_3 : vector<512xi32> to vector<512x1xi32>
    %iota3A = tpu.iota {dimensions = array<i32: 1>} : vector<1x128xi32>
    %eq3A = vector.broadcast %iota3A : vector<1x128xi32> to vector<512x128xi32>
    %eq3A_4 = vector.broadcast %broadcast_in_dim3A : vector<512x1xi32> to vector<512x128xi32>
    %eq3A_5 = arith.cmpi eq, %eq3A, %eq3A_4 : vector<512x128xi32>
    %jit3A = arith.constant 0 : i32
    %broadcast_in_dim3A_6 = vector.broadcast %jit3A : i32 to vector<512x128xi32>
    %select_n3A = arith.select %eq3A_5, %get3A_1, %broadcast_in_dim3A_6 : vector<512x128xi1>, vector<512x128xi32>
    %reduce_sum3A = arith.constant dense<0> : vector<512xi32>
    %reduce_sum3A_7 = vector.multi_reduction <add>, %select_n3A, %reduce_sum3A [1] : vector<512x128xi32> to vector<512xi32>
    %add3A = arith.constant 1 : i32
    %add3A_8 = vector.broadcast %add3A : i32 to vector<512x1xi32>
    %add3A_9 = arith.addi %broadcast_in_dim3A, %add3A_8 : vector<512x1xi32>
    %eq3A_10 = vector.broadcast %iota3A : vector<1x128xi32> to vector<512x128xi32>
    %eq3A_11 = vector.broadcast %add3A_9 : vector<512x1xi32> to vector<512x128xi32>
    %eq3A_12 = arith.cmpi eq, %eq3A_10, %eq3A_11 : vector<512x128xi32>
    %jit3A_13 = arith.constant 0 : i32
    %broadcast_in_dim3A_14 = vector.broadcast %jit3A_13 : i32 to vector<512x128xi32>
    %select_n3A_15 = arith.select %eq3A_12, %get3A_1, %broadcast_in_dim3A_14 : vector<512x128xi1>, vector<512x128xi32>
    %reduce_sum3A_16 = arith.constant dense<0> : vector<512xi32>
    %reduce_sum3A_17 = vector.multi_reduction <add>, %select_n3A_15, %reduce_sum3A_16 [1] : vector<512x128xi32> to vector<512xi32>
    %broadcast_in_dim3A_18 = vector.shape_cast %reduce_sum3A_7 : vector<512xi32> to vector<512x1xi32>
    %broadcast_in_dim3A_19 = vector.shape_cast %reduce_sum3A_17 : vector<512xi32> to vector<512x1xi32>
    %concatenate3A = tpu.concatenate %broadcast_in_dim3A_18, %broadcast_in_dim3A_19 in 1 : vector<512x1xi32>, vector<512x1xi32> -> vector<512x2xi32>
    %swap3A = arith.constant 0 : index
    %swap3A_20 = arith.constant 0 : index
    %swap3A_21 = vector.load %arg3[%swap3A, %swap3A_20] : memref<512x2xi32, #tpu.memory_space<vmem>>, vector<512x2xi32>
    tpu.vector_store %arg3[%swap3A, %swap3A_20], %concatenate3A {strides = array<i32>} : memref<512x2xi32, #tpu.memory_space<vmem>>, vector<512x2xi32>,
    return
  }
  func.func @transform_0(%arg0: i32) -> (i32, i32) {
    %c0_i32 = arith.constant 0 : i32
    %c0_i32_0 = arith.constant 0 : i32
    return %arg0, %c0_i32 : i32, i32
  }
  func.func @transform_1(%arg0: i32) -> i32 {
    %c0_i32 = arith.constant 0 : i32
    return %arg0 : i32
  }
  func.func @transform_2(%arg0: i32) -> (i32, i32) {
    %c0_i32 = arith.constant 0 : i32
    %c0_i32_0 = arith.constant 0 : i32
    return %arg0, %c0_i32 : i32, i32
  }
}

</mosaic_0001>

<sc_bundles>
// kernel: vocab_gather_sc.3.cloned.1.call-start
scs
__scs_entry_jumppad:
0x0: {  	(pc) =	sbr.rel $0x88, $3  }
0x1: {  	(tag) =	ssettag $0x0;
	lr =	simm.s32 $0x1  }
0x2: {  	[smem:$0x3F9F] =	sst lr;
	_ =	strace $0xD0000000  }
0x3: {  	_ = 	snop  }
0x4: {  	_ = 	snop  }
0x5: {  	_ = 	snop  }
0x6: {  	_ = 	snop  }
0x7: {  	_ = 	snop  }
__scs_overlays_trampoline_lowered:
0x8: {  	[smem:$0x3FAE] =	sst s0  }
0x9: {  	[smem:$0x3FAF] =	sst s1  }
0xa: {  	[smem:$0x3FB0] =	sst s2  }
0xb: {  	[smem:$0x3FB1] =	sst s3  }
0xc: {  	[smem:$0x3FB2] =	sst s4  }
0xd: {  	[smem:$0x3FB3] =	sst s5  }
0xe: {  	[smem:$0x3FB4] =	sst s6  }
0xf: {  	[smem:$0x3FB5] =	sst s7  }
0x10: {  	[smem:$0x3FB6] =	sst s8  }
0x11: {  	[smem:$0x3FB7] =	sst s9;
	s0 =	simm.s32 @!p0 $0x0  }
0x12: {  	s1 =	sld [smem:$0x3F9D];
	s0 =	simm.s32 @p0 $0x1  }
0x13: {  	[smem:$0x3FB8] =	sst s0;
	s0 =	simm.s32 @!p1 $0x0  }
0x14: {  	s2 =	sld [smem:$0x3F9C];
	s0 =	simm.s32 @p1 $0x1  }
0x15: {  	[smem:$0x3FB9] =	sst s0;
	s0 =	simm.s32 @!p2 $0x0  }
0x16: {  	s3 =	sld [smem:$0x3FDB];
	s0 =	simm.s32 @p2 $0x1  }
0x17: {  	s4 =	simm.s32 $0x1BF5;
	[smem:$0x3FBB] =	sst s0  }
0x18: {  	s0 =	sld [smem:$0x3F9E];
	_ =	swait.ge [sflag:s4], $0x0  }
0x19: {  	s7 =	sld [smem:$0x3F9F]  }
0x1a: {  	s8 =	sadd.s32 $0xFFFFE003, lr  }
0x1b: {  	s9 =	sadd.s32 $0xFFFFFEF7, lr;
	s5 =	simm.s32 $0xFFFFFFFF;
	p2 =	slt.u32 s8, $0xFFFFF086  }
0x1c: {  	p1 =	slt.u32 s9, $0xF7A;
	s5 =	simm.s32 @!p2 $0x0  }
0x1d: {  	s5 =	simm.s32 @p1 $0x1;
	p0 =	seq.s32 s7, s2  }
0x1e: {  	s7 =	smul.u32 @!p0 $0xF7A, s2;
	p2 =	seq.s32 @!p0 s5, $0x0  }
0x1f: {  	s9 =	smul.u32 $0xF7A, s1;
	s8 =	simm.s32 @!p0 $0x1BF5;
	p2 =	por !p2, p0  }
0x20: {  	[sflag:s8] =	ssyncset.s32 @!p0 $0xFFFFF086;
	s6 =	sadd.s32 @!p0 s3, s7;
	s7 =	simm.s32 @!p0 $0x108  }
0x21: {  	s3 =	sadd.s32 s3, s9;
	s6 =	sadd.s32 @!p0 $0x88, s6;
	s7 =	simm.s32 @p2 $0x1082  }
0x22: {  	[simem:s7], [sflag:s8] =	dma.local @!p0 [hbm:s6], $0xF7A  }
0x23: {  	s9 =	sor.u32 $0xD0000000, s2;
	s6 =	simm.s32 $0x108;
	_ =	swait.ge @!p0 [sflag:s8], $0x0  }
0x24: {  	s3 =	sadd.s32 $0x88, s3;
	s6 =	simm.s32 @!p1 $0x1082;
	[sflag:s4] =	ssyncset.s32 $0xFFFFF086  }
0x25: {  	[simem:s6], [sflag:s4] =	dma.local [hbm:s3], $0xF7A  }
0x26: {  	[smem:$0x3F9F] =	sst s1;
	(tag) =	ssettag s2;
	_ =	strace s9  }
0x27: {  	s1 =	sld [smem:$0x3FAF]  }
0x28: {  	s2 =	sld [smem:$0x3FB0]  }
0x29: {  	s4 =	sld [smem:$0x3FB2]  }
0x2a: {  	p0 =	seq.s32 s5, $0x0;
	s5 =	sld [smem:$0x3FB3]  }
0x2b: {  	s6 =	sld [smem:$0x3FB4]  }
0x2c: {  	s7 =	sld [smem:$0x3FB5]  }
0x2d: {  	s3 =	simm.s32 $0x108;
	s8 =	sld [smem:$0x3FB6]  }
0x2e: {  	s3 =	simm.s32 @!p0 $0x1082;
	s9 =	sld [smem:$0x3FB7]  }
0x2f: {  	lr =	sadd.s32 s0, s3;
	s0 =	sld [smem:$0x3FAE]  }
0x30: {  	s3 =	sld [smem:$0x3FB1]  }
0x31: {  	[smem:$0x3FBA] =	sst s10  }
0x32: {  	s10 =	sld [smem:$0x3FB8];
	_ =	sdelay $0x3  }
0x33: {  	p0 =	seq.s32 s10, $0x1;
	s10 =	sld [smem:$0x3FBA];
	_ =	sdelay $0x3  }
0x34: {  	[smem:$0x3FBA] =	sst s10  }
0x35: {  	s10 =	sld [smem:$0x3FB9];
	_ =	sdelay $0x3  }
0x36: {  	p1 =	seq.s32 s10, $0x1;
	s10 =	sld [smem:$0x3FBA];
	_ =	sdelay $0x3  }
0x37: {  	[smem:$0x3FBA] =	sst s10  }
0x38: {  	s10 =	sld [smem:$0x3FBB]  }
0x39: {  	_ = 	snop;
	(pc) =	sbr.ind lr, $3  }
0x3a: {  	_ = 	snop  }
0x3b: {  	_ = 	snop  }
0x3c: {  	p2 =	seq.s32 s10, $0x1;
	s10 =	sld [smem:$0x3FBA]  }
0x3d: {  	_ =	shalt  }
0x3e: {  	_ =	shalt  }
0x3f: {  	_ =	shalt  }
0x40: {  	_ =	shalt  }
0x41: {  	_ =	shalt  }
0x42: {  	_ =	shalt  }
0x43: {  	_ =	shalt  }
0x44: {  	_ =	shalt  }
0x45: {  	_ =	shalt  }
0x46: {  	_ =	shalt  }
0x47: {  	_ =	shalt  }
0x48: {  	_ =	shalt  }
0x49: {  	_ =	shalt  }
0x4a: {  	_ =	shalt  }
0x4b: {  	_ =	shalt  }
0x4c: {  	_ =	shalt  }
0x4d: {  	_ =	shalt  }
0x4e: {  	_ =	shalt  }
0x4f: {  	_ =	shalt  }
0x50: {  	_ =	shalt  }
0x51: {  	_ =	shalt  }
0x52: {  	_ =	shalt  }
0x53: {  	_ =	shalt  }
0x54: {  	_ =	shalt  }
0x55: {  	_ =	shalt  }
0x56: {  	_ =	shalt  }
0x57: {  	_ =	shalt  }
0x58: {  	_ =	shalt  }
0x59: {  	_ =	shalt  }
0x5a: {  	_ =	shalt  }
0x5b: {  	_ =	shalt  }
0x5c: {  	_ =	shalt  }
0x5d: {  	_ =	shalt  }
0x5e: {  	_ =	shalt  }
0x5f: {  	_ =	shalt  }
0x60: {  	_ =	shalt  }
0x61: {  	_ =	shalt  }
0x62: {  	_ =	shalt  }
0x63: {  	_ =	shalt  }
0x64: {  	_ =	shalt  }
0x65: {  	_ =	shalt  }
0x66: {  	_ =	shalt  }
0x67: {  	_ =	shalt  }
0x68: {  	_ =	shalt  }
0x69: {  	_ =	shalt  }
0x6a: {  	_ =	shalt  }
0x6b: {  	_ =	shalt  }
0x6c: {  	_ =	shalt  }
0x6d: {  	_ =	shalt  }
0x6e: {  	_ =	shalt  }
0x6f: {  	_ =	shalt  }
0x70: {  	_ =	shalt  }
0x71: {  	_ =	shalt  }
0x72: {  	_ =	shalt  }
0x73: {  	_ =	shalt  }
0x74: {  	_ =	shalt  }
0x75: {  	_ =	shalt  }
0x76: {  	_ =	shalt  }
0x77: {  	_ =	shalt  }
0x78: {  	_ =	shalt  }
0x79: {  	_ =	shalt  }
0x7a: {  	_ =	shalt  }
0x7b: {  	_ =	shalt  }
0x7c: {  	_ =	shalt  }
0x7d: {  	_ =	shalt  }
0x7e: {  	_ =	shalt  }
0x7f: {  	_ =	shalt  }
0x80: {  	_ =	shalt  }
0x81: {  	_ =	shalt  }
0x82: {  	_ =	shalt  }
0x83: {  	_ =	shalt  }
0x84: {  	_ =	shalt  }
0x85: {  	_ =	shalt  }
0x86: {  	_ =	shalt  }
0x87: {  	_ =	shalt  }
.Lfunc_end0:
.L_simem_size_0:
called_computation_lowered:
.L_overlay_start_0:
0x88: {  	s2 =	sld [smem:$0x3FD9]  }
0x89: {  	s3 =	sld [smem:$0x3FFE];
	_ =	sdelay $0x1  }
0x8a: {  	s1 =	srdreg.scid  }
0x8b: {  	s0 =	sand.u32 $0x1, s1  }
0x8c: {  	s14 =	sshll.u32 s0, $0xA;
	s2 =	sadd.s32 s3, s2  }
0x8d: {  	s2 =	sadd.s32 s2, s14  }
0x8e: {  	[smem:$0x3FC6] =	sst s2  }
0x8f: {  	_ = 	snop  }
0x90: {  	s2 =	sld [smem:$0x3FD0];
	_ =	sdelay $0x2  }
0x91: {  	s15 =	simm.s32 $0xA;
	s4 =	simm.s32 $0x10  }
0x92: {  	[smem:s4], [sflag:s15] =	dma.local [hbm:s2], $0x1  }
0x93: {  	_ =	swait.eq [sflag:s15], $0x1  }
0x94: {  	[sflag:s15] =	ssyncset.done $0x0  }
0x95: {  	[sflag:s15] =	ssyncadd.s32 $0xFFFFFFFF  }
0x96: {  	s16 =	sld [smem:$0x11];
	(tm) =	ssettm $0x1  }
0x97: {  	s17 =	sld [smem:$0x3FFB];
	_ =	sdelay $0x3  }
0x98: {  	_ =	strace s17  }
0x99: {  	s3 =	sld [smem:$0x3FFC];
	_ =	sdelay $0x3  }
0x9a: {  	_ =	strace s3  }
0x9b: {  	s3 =	sld [smem:$0x3FFD];
	_ =	sdelay $0x3  }
0x9c: {  	_ =	strace s3  }
0x9d: {  	_ =	strace $0x8FFFFFFF  }
0x9e: {  	s18 =	sld [smem:$0x3FDB];
	_ =	sdelay $0x1  }
0x9f: {  	s19 =	simm.s32 $_scs_section_size  }
0xa0: {  	s5 =	simm.s32 $_size__tile_overlayer_lowered;
	s6 =	simm.s32 $_tile_overlayer_lowered  }
0xa1: {  	s22 =	simm.s32 $0x1BFF;
	s21 =	sshll.u32 s6, $0x1;
	s3 =	sadd.s32 s19, s18  }
0xa2: {  	s7 =	simm.s32 $0x0;
	s20 =	sshll.u32 s5, $0x1;
	s5 =	sadd.s32 s21, s3  }
0xa3: {  	[timem:s7], [sflag:s22] =	dma.local [hbm:s5], s20  }
0xa4: {  	_ =	swait.ge [sflag:s22], s20  }
0xa5: {  	s4 =	ssub.s32 $0x0, s20;
	[sflag:s22] =	ssyncset.done $0x0  }
0xa6: {  	[sflag:s22] =	ssyncadd.s32 s4;
	_ =	sdelay $0x1  }
0xa7: {  	s23 =	simm.s32 $0x1B8B  }
0xa8: {  	_ =	swait.ge [sflag:s23], $0x1  }
0xa9: {  	[sflag:s23] =	ssyncset.done $0x0  }
0xaa: {  	s25 =	simm.s32 $0x1B8E;
	s24 =	sld [smem:$0x3FFE];
	[sflag:s23] =	ssyncadd.s32 $0xFFFFFFFF  }
0xab: {  	s26 =	simm.s32 $execute0_lowered;
	[smem:$0x3FD2] =	sst s25  }
0xac: {  	s5 =	sshll.u32 s26, $0x1;
	_ =	strace $0x80000046;
	[dreg:$0x1] =	wrdreg $0xFFFFFFFF  }
0xad: {  	s28 =	simm.s32 $_size_execute0_lowered;
	s3 =	sadd.s32 s3, s5;
	[dreg:$0x0] =	wrdreg $0x0  }
0xae: {  	s5 =	sshll.u32 s28, $0x1;
	[dreg:$0x2] =	wrdreg s3  }
0xaf: {  	[dreg:$0x3] =	wrdreg s5  }
0xb0: {  	[dreg:$0x4] =	wrdreg $0xC0  }
0xb1: {  	_ =	task [dreg:s7], $0x5FFFF  }
0xb2: {  	[dreg:$0x1] =	wrdreg $0xFFFFFFFF  }
0xb3: {  	[dreg:$0x0] =	wrdreg $0x60  }
0xb4: {  	[dreg:$0x2] =	wrdreg s24  }
0xb5: {  	[dreg:$0x3] =	wrdreg s16  }
0xb6: {  	[dreg:$0x4] =	wrdreg $0x9  }
0xb7: {  	_ =	task.clear_ibuf [dreg:s7], $0x5FFFF;
	_ =	strace $0x90000046  }
0xb8: {  	s29 =	simm.s32 $0x9;
	_ =	strace $0x80000048  }
0xb9: {  	_ =	swait.ge [sflag:s29], $0x1  }
0xba: {  	[sflag:s29] =	ssyncadd.s32 $0xFFFFFFFF  }
0xbb: {  	_ =	strace $0x90000048  }
0xbc: {  	_ =	sfence  }
0xbd: {  	s30 =	sld [smem:$0x0];
	_ =	sdelay $0x2  }
0xbe: {  	s31 =	sshll.u32 s1, $0xD;
	s1 =	sshrl.u32 s1, $0x2  }
0xbf: {  	s3 =	sand.u32 $0x4000, s31;
	s1 =	sadd.s32 s1, s30  }
0xc0: {  	s0 =	sor.u32 s3, s0;
	s1 =	sshll.u32 s1, $0x11  }
0xc1: {  	s0 =	sor.u32 s1, s0  }
0xc2: {  	s0 =	sadd.s32 $0x8F2B, s0  }
0xc3: {  	[sflag:s0] =	ssyncadd.remote.s32 $0x1  }
0xc4: {  	_ =	sfence.sel $0xFFFF  }
0xc5: {  	[dreg:$0x0] =	wrdreg $0xFFFFFFFF;
	(pc) =	sbr.abs _section_cstart, $3  }
0xc6: {  	[dreg:$0x1] =	wrdreg $0xFFFFFFFF  }
0xc7: {  	_ =	task.clear_ibuf [dreg:s7], $0x2FFFF;
	_ =	strace $0x9FFFFFFF  }
0xc8: {  	(tm) =	ssettm $0x7FFFFFFF  }
0xc9: {  	_ =	shalt  }
tec
execute0_lowered:
.L_overlay_start_1:
0x0: {  	(tag) =	ssettag $0x1  }
0x1: {  	s10 =	rddreg [dreg:$0x0];
	s1 =	srdreg.scid  }
0x2: {  	s0 =	stileid.u32;
	s3 =	rddreg [dreg:$0x1];
	s6 =	simm.s32 $0x400  }
0x3: {  	s9 =	simm.s32 $0x1;
	s8 =	sand.u32 $0x1, s1;
	s2 =	sshll.u32 s0, $0x1  }
0x4: {  	s1 =	rddreg [dreg:$0x2];
	s4 =	sshll.u32 s0, $0x7;
	s7 =	sadd.s32 $0xF42E00, s10  }
0x5: {  	s11 =	sor.u32 s8, s2;
	s2 =	simm.s32 $0x0;
	s4 =	sand.u32 $0x600, s4  }
0x6: {  	s12 =	ssub.s32 $0x2, s8;
	s5 =	sshll.u32 s11, $0x4;
	[smem:$0x7FF] =	sst s2  }
0x7: {  	s3 =	sadd.s32 s3, s4;
	s4 =	simm.s32 $0x80;
	s5 =	sand.u32 $0x70, s5  }
0x8: {  	_ =	strace $0x80000047;
	s3 =	sadd.s32 s5, s3;
	s5 =	simm.s32 $0x2  }
0x9: {  	[tilespmem:s2], [sflag:$0x2] =	stream.strided.gather [hbm4b:s3+s4], $0x200, s6, s4, $0x38;
	[tilespmem:$0x10200] =	vst v63  }
0xa: {  	s8 =	simm.s32 $0x200;
	s13 =	sshrl.u32 s12, $0x1;
	_ =	swait.ge [sflag:s5], $0x200  }
0xb: {  	s11 =	sshll.u32 s11, $0xD;
	s31 =	ssub.s32 s12, s13;
	[sflag:s5] =	ssyncset.done $0x0  }
0xc: {  	s10 =	sadd.s32 s11, s10;
	s11 =	smax.u32 s31, $0x1;
	[sflag:s5] =	ssyncadd.s32 $0xFFFFFE00  }
0xd: {  	[tilespmem:s8], [sflag:$0x1] =	stream.indirect.gather [hbm4b:s7+s8], $0x80, s2, s8, $0xb8;
	[tilespmem:$0x10200] =	vst v63  }
0xe: {  	p0 =	sne.s32 s11, $0x1;
	_ =	swait.ge [sflag:s9], $0x10000  }
.Ltmp0:
0xf: {  	[sflag:s9] =	ssyncset.done $0x0;
	(pc) =	sbr.rel @!p0 .LBB2_2-.Ltmp0, $4  }
0x10: {  	s10 =	sadd.s32 $0xA00, s10;
	[sflag:s9] =	ssyncadd.s32 $0xFFFF0000  }
0x11: {  	[hbm4b:s10+s2] =	stream.linear.scatter [tilespmem:s8], [sflag:$0x2], $0x10000, $0x38;
	[tilespmem:$0x10200] =	vst v63  }
0x12: {  	_ =	swait.ge [sflag:s5], $0x10000  }
0x13: {  	s11 =	sadd.s32 $0xFFFFFFFF, s11;
	[sflag:s5] =	ssyncset.done $0x0  }
.LBB2_1:
0x14: {  	p0 =	sne.s32 s11, $0x1;
	s11 =	sadd.s32 $0xFFFFFFFF, s11;
	[sflag:s5] =	ssyncadd.s32 $0xFFFF0000  }
0x15: {  	[tilespmem:s2], [sflag:$0x2] =	stream.strided.gather [hbm4b:s3+s4], $0x200, s6, s4, $0x38;
	[tilespmem:$0x10200] =	vst v63  }
0x16: {  	_ =	swait.ge [sflag:s5], $0x200  }
0x17: {  	[sflag:s5] =	ssyncset.done $0x0  }
0x18: {  	[sflag:s5] =	ssyncadd.s32 $0xFFFFFE00  }
0x19: {  	[tilespmem:s8], [sflag:$0x1] =	stream.indirect.gather [hbm4b:s7+s8], $0x80, s2, s8, $0xb8;
	[tilespmem:$0x10200] =	vst v63  }
0x1a: {  	_ =	swait.ge [sflag:s9], $0x10000  }
.Ltmp1:
0x1b: {  	[sflag:s9] =	ssyncset.done $0x0;
	(pc) =	sbr.rel @p0 .LBB2_1-.Ltmp1, $4  }
0x1c: {  	[sflag:s9] =	ssyncadd.s32 $0xFFFF0000  }
0x1d: {  	[hbm4b:s10+s2] =	stream.linear.scatter [tilespmem:s8], [sflag:$0x2], $0x10000, $0x38;
	[tilespmem:$0x10200] =	vst v63  }
0x1e: {  	_ =	swait.ge [sflag:s5], $0x10000  }
0x1f: {  	[sflag:s5] =	ssyncset.done $0x0  }
.LBB2_2:
0x20: {  	[sflag:s5] =	ssyncadd.s32 $0xFFFF0000  }
0x21: {  	_ =	sfence.sel $0x180000  }
0x22: {  	[bflag:$0x0] =	sbarrier.arrive $0xFFFF  }
0x23: {  	p0 =	sne.s32 s0, $0x0;
	_ =	strace $0x90000047  }
0x24: {  	s0 =	sadd.s32 @!p0 $0x100000, s1;
	[bflag:$0x2] =	sbarrier.arrive $0xFFFF  }
0x25: {  	[sflag:s0] =	ssyncadd.tile.s32 @!p0 $0x1;
	_ =	shalt  }
.Lfunc_end2:
_tile_overlayer_lowered:
.L_overlay_start_2:
0x26: {  	(tag) =	ssettag $0x2  }
0x27: {  	s0 =	rddreg [dreg:$0x0];
	s2 =	stileid.u32  }
0x28: {  	s1 =	rddreg [dreg:$0x1];
	p0 =	sne.s32 s2, $0x0  }
0x29: {  	s3 =	rddreg [dreg:$0x2];
	[bflag:$0x3] =	sbarrier.arrive $0xFFFF;
	s2 =	simm.s32 @!p0 $0x1C02  }
0x2a: {  	[timem:s3], [sflag:s2] =	dma.local @!p0 [hbm:s0], s1  }
0x2b: {  	s0 =	simm.s32 @!p0 $0x2  }
0x2c: {  	_ =	swait.ge @!p0 [sflag:s0], s1  }
0x2d: {  	s1 =	ssub.s32 @!p0 $0x0, s1;
	[sflag:s0] =	ssyncset.done @!p0 $0x0  }
0x2e: {  	[sflag:s0] =	ssyncadd.s32 @!p0 s1  }
0x2f: {  	[bflag:$0x3] =	sbarrier.arrive $0xFFFF  }
0x30: {  	_ =	shalt  }

</sc_bundles>
